<compile_context>
chip_gen: v7x
topology: tpu7x:2x2x1
jax: 0.10.2.dev20260603
libtpu: 0.0.44.dev20260713+nightly
codegen_flags: <defaults>
</compile_context>

<pallas_src>
import functools

import jax
import jax.numpy as jnp
from jax import lax
from jax.experimental import pallas as pl
from jax.experimental.pallas import tpu as pltpu
from jax.experimental.pallas import tpu_sc as plsc

_R, _C = 16384, 1024

_SC_ROWS = 4096
_TC_ROWS = _R - _SC_ROWS

_NC, _NS, _L = 2, 16, 16
_NW = _NC * _NS
_CROWS = 16

_BR = 1024
_TC_GRID = _TC_ROWS // _BR
_TC_OFF = _SC_ROWS // _BR

_LN2 = 0.6931471805599453
_D0 = -1.4790445921850808
_D1 = 2.086871769929186
_D2 = -0.7135859508212412
_D3 = 0.10668404683531177

_UNROLL = 4



def _sc_partials(p2d, t2d, m2d):
    span = _SC_ROWS // _NW
    nchunks = span // _CROWS
    assert nchunks % 2 == 0
    mesh = plsc.VectorSubcoreMesh(core_axis_name="c", subcore_axis_name="s")

    @functools.partial(
        pl.kernel,
        mesh=mesh,
        out_type=jax.ShapeDtypeStruct((_NW, 2, _L), jnp.float32),
        scratch_types=[
            pltpu.VMEM((2, _CROWS, _C), jnp.float32),
            pltpu.VMEM((2, _CROWS, _C), jnp.int32),
            pltpu.VMEM((2, _CROWS, _C), jnp.int32),
            pltpu.VMEM((2, _L), jnp.float32),
            pltpu.SemaphoreType.DMA((2,)),
            pltpu.SemaphoreType.DMA((2,)),
            pltpu.SemaphoreType.DMA((2,)),
        ],
        compiler_params=pltpu.CompilerParams(use_tc_tiling_on_sc=True),
    )
    def k(p_hbm, t_hbm, m_hbm, out_hbm, pv, tv, mv, ov, sp, st, sm):
        wid = lax.axis_index("s") * _NC + lax.axis_index("c")
        base = wid * span

        def issue(g, b):
            off = base + g * _CROWS
            pltpu.async_copy(p_hbm.at[pl.ds(off, _CROWS)], pv.at[b], sp.at[b])
            pltpu.async_copy(t_hbm.at[pl.ds(off, _CROWS)], tv.at[b], st.at[b])
            pltpu.async_copy(m_hbm.at[pl.ds(off, _CROWS)], mv.at[b], sm.at[b])

        def drain(g, b):
            off = base + g * _CROWS
            pltpu.make_async_copy(
                p_hbm.at[pl.ds(off, _CROWS)], pv.at[b], sp.at[b]).wait()
            pltpu.make_async_copy(
                t_hbm.at[pl.ds(off, _CROWS)], tv.at[b], st.at[b]).wait()
            pltpu.make_async_copy(
                m_hbm.at[pl.ds(off, _CROWS)], mv.at[b], sm.at[b]).wait()

        def compute(b, carry):
            def row_loop(r, c1):
                def vec_loop(i, c2):
                    ap, ae, an = c2
                    pz = []
                    for q in range(_UNROLL):
                        sl = pl.ds(i * (_L * _UNROLL) + q * _L, _L)
                        p = pv[b, r, sl]
                        t = tv[b, r, sl]
                        m = mv[b, r, sl]
                        msk = m > 0
                        sel = jnp.where(t > 0, p, 1.0 - p)
                        xi = lax.bitcast_convert_type(sel, jnp.int32)
                        sh = lax.shift_right_logical(xi, 23)
                        mf = lax.bitcast_convert_type(
                            (xi & 0x007FFFFF) | 0x3F800000, jnp.float32)
                        poly = ((_D3 * mf + _D2) * mf + _D1) * mf + _D0
                        pz.append(jnp.where(msk, poly, 0.0))
                        ae = ae + jnp.where(msk, sh, 0)
                        an = an + m
                    ap = ap + ((pz[0] + pz[1]) + (pz[2] + pz[3]))
                    return (ap, ae, an)

                return lax.fori_loop(0, _C // (_L * _UNROLL), vec_loop, c1)

            return lax.fori_loop(0, _CROWS, row_loop, carry)

        issue(0, 0)
        carry0 = (jnp.zeros((_L,), jnp.float32),
                  jnp.zeros((_L,), jnp.int32),
                  jnp.zeros((_L,), jnp.int32))

        def pair_loop(gp, carry):
            g0 = 2 * gp
            issue(g0 + 1, 1)
            drain(g0, 0)
            carry = compute(0, carry)

            @pl.when(g0 + 2 < nchunks)
            def _():
                issue(g0 + 2, 0)

            drain(g0 + 1, 1)
            return compute(1, carry)

        accp, acce, cnt = lax.fori_loop(0, nchunks // 2, pair_loop, carry0)
        cnt_f = cnt.astype(jnp.float32)
        ov[0, :] = -(_LN2 * (acce.astype(jnp.float32) - 127.0 * cnt_f) + accp)
        ov[1, :] = cnt_f
        pltpu.sync_copy(ov, out_hbm.at[wid])

    return k(p2d, t2d, m2d)



def _tc_body(p_ref, t_ref, m_ref, out_ref, acc_ref):
    i = pl.program_id(0)

    @pl.when(i == 0)
    def _init():
        acc_ref[0] = 0.0
        acc_ref[1] = 0.0

    p = p_ref[...]
    t = t_ref[...]
    msk = m_ref[...] > 0
    sel = jnp.where(t > 0, p, 1.0 - p)
    logsel = jnp.maximum(jnp.log(sel), -100.0)
    contrib = jnp.where(msk, logsel, 0.0)
    acc_ref[0] += -jnp.sum(contrib)
    acc_ref[1] += jnp.sum(msk.astype(jnp.float32))

    @pl.when(i == _TC_GRID - 1)
    def _fin():
        out_ref[0] = acc_ref[0]
        out_ref[1] = acc_ref[1]


def _tc_partials(pred, truth, mask):
    return pl.pallas_call(
        _tc_body,
        grid=(_TC_GRID,),
        in_specs=[
            pl.BlockSpec((_BR, _C), lambda i: (i + _TC_OFF, 0)),
            pl.BlockSpec((_BR, _C), lambda i: (i + _TC_OFF, 0)),
            pl.BlockSpec((_BR, _C), lambda i: (i + _TC_OFF, 0)),
        ],
        out_specs=pl.BlockSpec(memory_space=pltpu.SMEM),
        out_shape=jax.ShapeDtypeStruct((2,), jnp.float32),
        scratch_shapes=[pltpu.SMEM((2,), jnp.float32)],
    )(pred, truth, mask)


def kernel(pred, truth, cluster_loss, mask):
    sc = _sc_partials(pred, truth, mask)
    p = pred[_SC_ROWS:]
    t = truth[_SC_ROWS:].astype(jnp.float32)
    mm = (mask[_SC_ROWS:] > 0).astype(jnp.float32)
    sel = jnp.where(t > 0, p, 1.0 - p)
    bce = -jnp.maximum(jnp.log(sel), -100.0)
    tc = jnp.stack([jnp.sum(bce * mm), jnp.sum(mm)])
    s = tc[0] + jnp.sum(sc[:, 0, :])
    c = tc[1] + jnp.sum(sc[:, 1, :])
    return s / c + 0.001 * cluster_loss[0]

# --- scband reference (transcript-rebuilt; emitter-appended) ---
"""Pipeline reference for scband-totalloss-7481833030190 (READ-ONLY COPY).

The authoritative reference and input builder live on the scoring server;
editing this copy changes nothing except your own understanding.
"""

import jax, jax.numpy as jnp
import numpy as np


def setup_inputs(seed: int = 0) -> dict:
    key = jax.random.key(seed)
    k1, k2, k3, k4 = jax.random.split(key, 4)
    pred = jax.random.uniform(k1, (16384, 1024), dtype=jnp.float32)
    truth = jax.random.randint(k2, (16384, 1024), 0, 2, dtype=jnp.int64)
    cluster_loss = jax.random.uniform(k3, (1,), dtype=jnp.float32)
    mask = jax.random.randint(k4, (16384, 1024), 0, 2, dtype=jnp.int64)
    return {"pred": pred, "truth": truth, "cluster_loss": cluster_loss, "mask": mask}


def reference(pred, truth, cluster_loss, mask):
    # mask.gt(0).view(-1)
    m = (mask > 0).reshape(-1).astype(jnp.float32)
    p = pred.reshape(-1)
    t = truth.reshape(-1).astype(jnp.float32)
    # binary_cross_entropy: torch clamps log terms at -100
    logp = jnp.clip(jnp.log(p), -100.0, None)
    log1mp = jnp.clip(jnp.log(1.0 - p), -100.0, None)
    bce = -(t * logp + (1.0 - t) * log1mp)
    # masked_select + mean reduction == masked sum / count of selected
    loss = jnp.sum(bce * m) / jnp.sum(m)
    return loss + 0.001 * cluster_loss[0]

if __name__ == "__main__":
    import jax
    _d = setup_inputs()
    print(jax.jit(kernel)(*tuple(_d.values())))

</pallas_src>

<mosaic_0001>
#map = affine_map<(d0, d1) -> (0, 0)>
#map1 = affine_map<(d0, d1) -> (0, 0, 0)>
module attributes {stable_mosaic.version = 14 : i64} {
  func.func @k(%arg0: i32, %arg1: i32, %arg2: memref<16384x1024xf32, #tpu.memory_space<hbm>>, %arg3: memref<16384x1024xi32, #tpu.memory_space<hbm>>, %arg4: memref<16384x1024xi32, #tpu.memory_space<hbm>>, %arg5: memref<32x2x16xf32, #tpu.memory_space<hbm>>, %arg6: memref<2x16x1024xf32, #tpu.memory_space<vmem>>, %arg7: memref<2x16x1024xi32, #tpu.memory_space<vmem>>, %arg8: memref<2x16x1024xi32, #tpu.memory_space<vmem>>, %arg9: memref<2x16xf32, #tpu.memory_space<vmem>>, %arg10: memref<2x!tpu.dma_semaphore, #tpu.memory_space<semaphore_mem>>, %arg11: memref<2x!tpu.dma_semaphore, #tpu.memory_space<semaphore_mem>>, %arg12: memref<2x!tpu.dma_semaphore, #tpu.memory_space<semaphore_mem>>) attributes {dimension_semantics = [#tpu.dimension_semantics<core_parallel>, #tpu.dimension_semantics<subcore_parallel>], iteration_bounds = array<i64: 2, 16>, scalar_prefetch = 0 : i64, scratch_operands = 7 : i64, tpu.core_type = #tpu.core_type<sc_vector_subcore>, window_params = [{transform_indices = #map}, {transform_indices = #map}, {transform_indices = #map}, {transform_indices = #map1}]} {
    %mul3A = arith.constant 2 : i32
    %mul3A_0 = arith.muli %arg1, %mul3A : i32
    %add3A = arith.addi %mul3A_0, %arg0 : i32
    %mul3A_1 = arith.constant 128 : i32
    %mul3A_2 = arith.muli %add3A, %mul3A_1 : i32
    %add3A_3 = arith.constant 0 : i32
    %add3A_4 = arith.addi %mul3A_2, %add3A_3 : i32
    %dma_start3A = arith.constant 0 : i32
    %dma_start3A_5 = arith.constant 0 : i32
    %dma_start3A_6 = arith.constant 0 : i32
    %dma_start3A_7 = arith.constant 0 : i32
    %dma_start3A_8 = tpu.memref_slice %arg6[%dma_start3A, %dma_start3A_6, %dma_start3A_7] : memref<2x16x1024xf32, #tpu.memory_space<vmem>> -> memref<1x16x1024xf32, #tpu.memory_space<vmem>>
    %dma_start3A_9 = tpu.memref_squeeze %dma_start3A_8 : memref<1x16x1024xf32, #tpu.memory_space<vmem>> -> memref<16x1024xf32, #tpu.memory_space<vmem>>
    %dma_start3A_10 = arith.constant 0 : i32
    %dma_start3A_11 = tpu.memref_slice %arg2[%add3A_4, %dma_start3A_10] : memref<16384x1024xf32, #tpu.memory_space<hbm>> -> memref<16x1024xf32, #tpu.memory_space<hbm>>
    %dma_start3A_12 = tpu.memref_slice %arg10[%dma_start3A_5] : memref<2x!tpu.dma_semaphore, #tpu.memory_space<semaphore_mem>> -> memref<1x!tpu.dma_semaphore, #tpu.memory_space<semaphore_mem>>
    %dma_start3A_13 = tpu.memref_squeeze %dma_start3A_12 : memref<1x!tpu.dma_semaphore, #tpu.memory_space<semaphore_mem>> -> memref<!tpu.dma_semaphore, #tpu.memory_space<semaphore_mem>>
    %dma_start3A_14 = arith.constant 0 : i32
    %dma_start3A_15 = arith.constant 0 : i32
    %dma_start3A_16 = tpu.memref_slice %arg6[%dma_start3A, %dma_start3A_14, %dma_start3A_15] : memref<2x16x1024xf32, #tpu.memory_space<vmem>> -> memref<1x16x1024xf32, #tpu.memory_space<vmem>>
    %dma_start3A_17 = tpu.memref_squeeze %dma_start3A_16 : memref<1x16x1024xf32, #tpu.memory_space<vmem>> -> memref<16x1024xf32, #tpu.memory_space<vmem>>
    %dma_start3A_18 = arith.constant 0 : i32
    %dma_start3A_19 = tpu.memref_slice %arg2[%add3A_4, %dma_start3A_18] : memref<16384x1024xf32, #tpu.memory_space<hbm>> -> memref<16x1024xf32, #tpu.memory_space<hbm>>
    tpu.enqueue_dma source(%dma_start3A_19 : memref<16x1024xf32, #tpu.memory_space<hbm>>) target(%dma_start3A_17 : memref<16x1024xf32, #tpu.memory_space<vmem>>) target_semaphore(%dma_start3A_13 : memref<!tpu.dma_semaphore, #tpu.memory_space<semaphore_mem>>)
    %dma_start3A_20 = arith.constant 0 : i32
    %dma_start3A_21 = arith.constant 0 : i32
    %dma_start3A_22 = arith.constant 0 : i32
    %dma_start3A_23 = arith.constant 0 : i32
    %dma_start3A_24 = tpu.memref_slice %arg7[%dma_start3A_20, %dma_start3A_22, %dma_start3A_23] : memref<2x16x1024xi32, #tpu.memory_space<vmem>> -> memref<1x16x1024xi32, #tpu.memory_space<vmem>>
    %dma_start3A_25 = tpu.memref_squeeze %dma_start3A_24 : memref<1x16x1024xi32, #tpu.memory_space<vmem>> -> memref<16x1024xi32, #tpu.memory_space<vmem>>
    %dma_start3A_26 = arith.constant 0 : i32
    %dma_start3A_27 = tpu.memref_slice %arg3[%add3A_4, %dma_start3A_26] : memref<16384x1024xi32, #tpu.memory_space<hbm>> -> memref<16x1024xi32, #tpu.memory_space<hbm>>
    %dma_start3A_28 = tpu.memref_slice %arg11[%dma_start3A_21] : memref<2x!tpu.dma_semaphore, #tpu.memory_space<semaphore_mem>> -> memref<1x!tpu.dma_semaphore, #tpu.memory_space<semaphore_mem>>
    %dma_start3A_29 = tpu.memref_squeeze %dma_start3A_28 : memref<1x!tpu.dma_semaphore, #tpu.memory_space<semaphore_mem>> -> memref<!tpu.dma_semaphore, #tpu.memory_space<semaphore_mem>>
    %dma_start3A_30 = arith.constant 0 : i32
    %dma_start3A_31 = arith.constant 0 : i32
    %dma_start3A_32 = tpu.memref_slice %arg7[%dma_start3A_20, %dma_start3A_30, %dma_start3A_31] : memref<2x16x1024xi32, #tpu.memory_space<vmem>> -> memref<1x16x1024xi32, #tpu.memory_space<vmem>>
    %dma_start3A_33 = tpu.memref_squeeze %dma_start3A_32 : memref<1x16x1024xi32, #tpu.memory_space<vmem>> -> memref<16x1024xi32, #tpu.memory_space<vmem>>
    %dma_start3A_34 = arith.constant 0 : i32
    %dma_start3A_35 = tpu.memref_slice %arg3[%add3A_4, %dma_start3A_34] : memref<16384x1024xi32, #tpu.memory_space<hbm>> -> memref<16x1024xi32, #tpu.memory_space<hbm>>
    tpu.enqueue_dma source(%dma_start3A_35 : memref<16x1024xi32, #tpu.memory_space<hbm>>) target(%dma_start3A_33 : memref<16x1024xi32, #tpu.memory_space<vmem>>) target_semaphore(%dma_start3A_29 : memref<!tpu.dma_semaphore, #tpu.memory_space<semaphore_mem>>)
    %dma_start3A_36 = arith.constant 0 : i32
    %dma_start3A_37 = arith.constant 0 : i32
    %dma_start3A_38 = arith.constant 0 : i32
    %dma_start3A_39 = arith.constant 0 : i32
    %dma_start3A_40 = tpu.memref_slice %arg8[%dma_start3A_36, %dma_start3A_38, %dma_start3A_39] : memref<2x16x1024xi32, #tpu.memory_space<vmem>> -> memref<1x16x1024xi32, #tpu.memory_space<vmem>>
    %dma_start3A_41 = tpu.memref_squeeze %dma_start3A_40 : memref<1x16x1024xi32, #tpu.memory_space<vmem>> -> memref<16x1024xi32, #tpu.memory_space<vmem>>
    %dma_start3A_42 = arith.constant 0 : i32
    %dma_start3A_43 = tpu.memref_slice %arg4[%add3A_4, %dma_start3A_42] : memref<16384x1024xi32, #tpu.memory_space<hbm>> -> memref<16x1024xi32, #tpu.memory_space<hbm>>
    %dma_start3A_44 = tpu.memref_slice %arg12[%dma_start3A_37] : memref<2x!tpu.dma_semaphore, #tpu.memory_space<semaphore_mem>> -> memref<1x!tpu.dma_semaphore, #tpu.memory_space<semaphore_mem>>
    %dma_start3A_45 = tpu.memref_squeeze %dma_start3A_44 : memref<1x!tpu.dma_semaphore, #tpu.memory_space<semaphore_mem>> -> memref<!tpu.dma_semaphore, #tpu.memory_space<semaphore_mem>>
    %dma_start3A_46 = arith.constant 0 : i32
    %dma_start3A_47 = arith.constant 0 : i32
    %dma_start3A_48 = tpu.memref_slice %arg8[%dma_start3A_36, %dma_start3A_46, %dma_start3A_47] : memref<2x16x1024xi32, #tpu.memory_space<vmem>> -> memref<1x16x1024xi32, #tpu.memory_space<vmem>>
    %dma_start3A_49 = tpu.memref_squeeze %dma_start3A_48 : memref<1x16x1024xi32, #tpu.memory_space<vmem>> -> memref<16x1024xi32, #tpu.memory_space<vmem>>
    %dma_start3A_50 = arith.constant 0 : i32
    %dma_start3A_51 = tpu.memref_slice %arg4[%add3A_4, %dma_start3A_50] : memref<16384x1024xi32, #tpu.memory_space<hbm>> -> memref<16x1024xi32, #tpu.memory_space<hbm>>
    tpu.enqueue_dma source(%dma_start3A_51 : memref<16x1024xi32, #tpu.memory_space<hbm>>) target(%dma_start3A_49 : memref<16x1024xi32, #tpu.memory_space<vmem>>) target_semaphore(%dma_start3A_45 : memref<!tpu.dma_semaphore, #tpu.memory_space<semaphore_mem>>)
    %broadcast_in_dim3A = arith.constant 0.000000e+00 : f32
    %broadcast_in_dim3A_52 = vector.broadcast %broadcast_in_dim3A : f32 to vector<16xf32>
    %broadcast_in_dim3A_53 = arith.constant 0 : i32
    %broadcast_in_dim3A_54 = vector.broadcast %broadcast_in_dim3A_53 : i32 to vector<16xi32>
    %broadcast_in_dim3A_55 = arith.constant 0 : i32
    %broadcast_in_dim3A_56 = vector.broadcast %broadcast_in_dim3A_55 : i32 to vector<16xi32>
    %scan3A = arith.constant 0 : i32
    %scan3A_57 = arith.constant 4 : i32
    %scan3A_58 = arith.addi %scan3A, %scan3A_57 : i32
    %scan3A_59 = arith.constant 1 : i32
    %scan3A_60:3 = scf.for %scan3A_83 = %scan3A to %scan3A_58 step %scan3A_59 iter_args(%scan3A_84 = %broadcast_in_dim3A_52, %scan3A_85 = %broadcast_in_dim3A_54, %scan3A_86 = %broadcast_in_dim3A_56) -> (vector<16xf32>, vector<16xi32>, vector<16xi32>)  : i32 {
      %mul3A_87 = arith.constant 2 : i32
      %mul3A_88 = arith.muli %mul3A_87, %scan3A_83 : i32
      %add3A_89 = arith.constant 1 : i32
      %add3A_90 = arith.addi %mul3A_88, %add3A_89 : i32
      %mul3A_91 = arith.constant 16 : i32
      %mul3A_92 = arith.muli %add3A_90, %mul3A_91 : i32
      %add3A_93 = arith.addi %mul3A_2, %mul3A_92 : i32
      %dma_start3A_94 = arith.constant 1 : i32
      %dma_start3A_95 = arith.constant 1 : i32
      %dma_start3A_96 = arith.constant 0 : i32
      %dma_start3A_97 = arith.constant 0 : i32
      %dma_start3A_98 = tpu.memref_slice %arg6[%dma_start3A_94, %dma_start3A_96, %dma_start3A_97] : memref<2x16x1024xf32, #tpu.memory_space<vmem>> -> memref<1x16x1024xf32, #tpu.memory_space<vmem>>
      %dma_start3A_99 = tpu.memref_squeeze %dma_start3A_98 : memref<1x16x1024xf32, #tpu.memory_space<vmem>> -> memref<16x1024xf32, #tpu.memory_space<vmem>>
      %dma_start3A_100 = arith.constant 0 : i32
      %dma_start3A_101 = tpu.memref_slice %arg2[%add3A_93, %dma_start3A_100] : memref<16384x1024xf32, #tpu.memory_space<hbm>> -> memref<16x1024xf32, #tpu.memory_space<hbm>>
      %dma_start3A_102 = tpu.memref_slice %arg10[%dma_start3A_95] : memref<2x!tpu.dma_semaphore, #tpu.memory_space<semaphore_mem>> -> memref<1x!tpu.dma_semaphore, #tpu.memory_space<semaphore_mem>>
      %dma_start3A_103 = tpu.memref_squeeze %dma_start3A_102 : memref<1x!tpu.dma_semaphore, #tpu.memory_space<semaphore_mem>> -> memref<!tpu.dma_semaphore, #tpu.memory_space<semaphore_mem>>
      %dma_start3A_104 = arith.constant 0 : i32
      %dma_start3A_105 = arith.constant 0 : i32
      %dma_start3A_106 = tpu.memref_slice %arg6[%dma_start3A_94, %dma_start3A_104, %dma_start3A_105] : memref<2x16x1024xf32, #tpu.memory_space<vmem>> -> memref<1x16x1024xf32, #tpu.memory_space<vmem>>
      %dma_start3A_107 = tpu.memref_squeeze %dma_start3A_106 : memref<1x16x1024xf32, #tpu.memory_space<vmem>> -> memref<16x1024xf32, #tpu.memory_space<vmem>>
      %dma_start3A_108 = arith.constant 0 : i32
      %dma_start3A_109 = tpu.memref_slice %arg2[%add3A_93, %dma_start3A_108] : memref<16384x1024xf32, #tpu.memory_space<hbm>> -> memref<16x1024xf32, #tpu.memory_space<hbm>>
      tpu.enqueue_dma source(%dma_start3A_109 : memref<16x1024xf32, #tpu.memory_space<hbm>>) target(%dma_start3A_107 : memref<16x1024xf32, #tpu.memory_space<vmem>>) target_semaphore(%dma_start3A_103 : memref<!tpu.dma_semaphore, #tpu.memory_space<semaphore_mem>>)
      %dma_start3A_110 = arith.constant 1 : i32
      %dma_start3A_111 = arith.constant 1 : i32
      %dma_start3A_112 = arith.constant 0 : i32
      %dma_start3A_113 = arith.constant 0 : i32
      %dma_start3A_114 = tpu.memref_slice %arg7[%dma_start3A_110, %dma_start3A_112, %dma_start3A_113] : memref<2x16x1024xi32, #tpu.memory_space<vmem>> -> memref<1x16x1024xi32, #tpu.memory_space<vmem>>
      %dma_start3A_115 = tpu.memref_squeeze %dma_start3A_114 : memref<1x16x1024xi32, #tpu.memory_space<vmem>> -> memref<16x1024xi32, #tpu.memory_space<vmem>>
      %dma_start3A_116 = arith.constant 0 : i32
      %dma_start3A_117 = tpu.memref_slice %arg3[%add3A_93, %dma_start3A_116] : memref<16384x1024xi32, #tpu.memory_space<hbm>> -> memref<16x1024xi32, #tpu.memory_space<hbm>>
      %dma_start3A_118 = tpu.memref_slice %arg11[%dma_start3A_111] : memref<2x!tpu.dma_semaphore, #tpu.memory_space<semaphore_mem>> -> memref<1x!tpu.dma_semaphore, #tpu.memory_space<semaphore_mem>>
      %dma_start3A_119 = tpu.memref_squeeze %dma_start3A_118 : memref<1x!tpu.dma_semaphore, #tpu.memory_space<semaphore_mem>> -> memref<!tpu.dma_semaphore, #tpu.memory_space<semaphore_mem>>
      %dma_start3A_120 = arith.constant 0 : i32
      %dma_start3A_121 = arith.constant 0 : i32
      %dma_start3A_122 = tpu.memref_slice %arg7[%dma_start3A_110, %dma_start3A_120, %dma_start3A_121] : memref<2x16x1024xi32, #tpu.memory_space<vmem>> -> memref<1x16x1024xi32, #tpu.memory_space<vmem>>
      %dma_start3A_123 = tpu.memref_squeeze %dma_start3A_122 : memref<1x16x1024xi32, #tpu.memory_space<vmem>> -> memref<16x1024xi32, #tpu.memory_space<vmem>>
      %dma_start3A_124 = arith.constant 0 : i32
      %dma_start3A_125 = tpu.memref_slice %arg3[%add3A_93, %dma_start3A_124] : memref<16384x1024xi32, #tpu.memory_space<hbm>> -> memref<16x1024xi32, #tpu.memory_space<hbm>>
      tpu.enqueue_dma source(%dma_start3A_125 : memref<16x1024xi32, #tpu.memory_space<hbm>>) target(%dma_start3A_123 : memref<16x1024xi32, #tpu.memory_space<vmem>>) target_semaphore(%dma_start3A_119 : memref<!tpu.dma_semaphore, #tpu.memory_space<semaphore_mem>>)
      %dma_start3A_126 = arith.constant 1 : i32
      %dma_start3A_127 = arith.constant 1 : i32
      %dma_start3A_128 = arith.constant 0 : i32
      %dma_start3A_129 = arith.constant 0 : i32
      %dma_start3A_130 = tpu.memref_slice %arg8[%dma_start3A_126, %dma_start3A_128, %dma_start3A_129] : memref<2x16x1024xi32, #tpu.memory_space<vmem>> -> memref<1x16x1024xi32, #tpu.memory_space<vmem>>
      %dma_start3A_131 = tpu.memref_squeeze %dma_start3A_130 : memref<1x16x1024xi32, #tpu.memory_space<vmem>> -> memref<16x1024xi32, #tpu.memory_space<vmem>>
      %dma_start3A_132 = arith.constant 0 : i32
      %dma_start3A_133 = tpu.memref_slice %arg4[%add3A_93, %dma_start3A_132] : memref<16384x1024xi32, #tpu.memory_space<hbm>> -> memref<16x1024xi32, #tpu.memory_space<hbm>>
      %dma_start3A_134 = tpu.memref_slice %arg12[%dma_start3A_127] : memref<2x!tpu.dma_semaphore, #tpu.memory_space<semaphore_mem>> -> memref<1x!tpu.dma_semaphore, #tpu.memory_space<semaphore_mem>>
      %dma_start3A_135 = tpu.memref_squeeze %dma_start3A_134 : memref<1x!tpu.dma_semaphore, #tpu.memory_space<semaphore_mem>> -> memref<!tpu.dma_semaphore, #tpu.memory_space<semaphore_mem>>
      %dma_start3A_136 = arith.constant 0 : i32
      %dma_start3A_137 = arith.constant 0 : i32
      %dma_start3A_138 = tpu.memref_slice %arg8[%dma_start3A_126, %dma_start3A_136, %dma_start3A_137] : memref<2x16x1024xi32, #tpu.memory_space<vmem>> -> memref<1x16x1024xi32, #tpu.memory_space<vmem>>
      %dma_start3A_139 = tpu.memref_squeeze %dma_start3A_138 : memref<1x16x1024xi32, #tpu.memory_space<vmem>> -> memref<16x1024xi32, #tpu.memory_space<vmem>>
      %dma_start3A_140 = arith.constant 0 : i32
      %dma_start3A_141 = tpu.memref_slice %arg4[%add3A_93, %dma_start3A_140] : memref<16384x1024xi32, #tpu.memory_space<hbm>> -> memref<16x1024xi32, #tpu.memory_space<hbm>>
      tpu.enqueue_dma source(%dma_start3A_141 : memref<16x1024xi32, #tpu.memory_space<hbm>>) target(%dma_start3A_139 : memref<16x1024xi32, #tpu.memory_space<vmem>>) target_semaphore(%dma_start3A_135 : memref<!tpu.dma_semaphore, #tpu.memory_space<semaphore_mem>>)
      %mul3A_142 = arith.constant 16 : i32
      %mul3A_143 = arith.muli %mul3A_88, %mul3A_142 : i32
      %add3A_144 = arith.addi %mul3A_2, %mul3A_143 : i32
      %dma_wait3A = arith.constant 0 : i32
      %dma_wait3A_145 = arith.constant 0 : i32
      %dma_wait3A_146 = arith.constant 0 : i32
      %dma_wait3A_147 = arith.constant 0 : i32
      %dma_wait3A_148 = tpu.memref_slice %arg6[%dma_wait3A, %dma_wait3A_146, %dma_wait3A_147] : memref<2x16x1024xf32, #tpu.memory_space<vmem>> -> memref<1x16x1024xf32, #tpu.memory_space<vmem>>
      %dma_wait3A_149 = tpu.memref_squeeze %dma_wait3A_148 : memref<1x16x1024xf32, #tpu.memory_space<vmem>> -> memref<16x1024xf32, #tpu.memory_space<vmem>>
      %dma_wait3A_150 = arith.constant 0 : i32
      %dma_wait3A_151 = tpu.memref_slice %arg2[%add3A_144, %dma_wait3A_150] : memref<16384x1024xf32, #tpu.memory_space<hbm>> -> memref<16x1024xf32, #tpu.memory_space<hbm>>
      %dma_wait3A_152 = tpu.memref_slice %arg10[%dma_wait3A_145] : memref<2x!tpu.dma_semaphore, #tpu.memory_space<semaphore_mem>> -> memref<1x!tpu.dma_semaphore, #tpu.memory_space<semaphore_mem>>
      %dma_wait3A_153 = tpu.memref_squeeze %dma_wait3A_152 : memref<1x!tpu.dma_semaphore, #tpu.memory_space<semaphore_mem>> -> memref<!tpu.dma_semaphore, #tpu.memory_space<semaphore_mem>>
      %dma_wait3A_154 = arith.constant 0 : i32
      %dma_wait3A_155 = arith.constant 0 : i32
      %dma_wait3A_156 = tpu.memref_slice %arg6[%dma_wait3A, %dma_wait3A_154, %dma_wait3A_155] : memref<2x16x1024xf32, #tpu.memory_space<vmem>> -> memref<1x16x1024xf32, #tpu.memory_space<vmem>>
      %dma_wait3A_157 = tpu.memref_squeeze %dma_wait3A_156 : memref<1x16x1024xf32, #tpu.memory_space<vmem>> -> memref<16x1024xf32, #tpu.memory_space<vmem>>
      %dma_wait3A_158 = arith.constant 0 : i32
      %dma_wait3A_159 = tpu.memref_slice %arg2[%add3A_144, %dma_wait3A_158] : memref<16384x1024xf32, #tpu.memory_space<hbm>> -> memref<16x1024xf32, #tpu.memory_space<hbm>>
      tpu.wait_dma2 semaphore(%dma_wait3A_153 : memref<!tpu.dma_semaphore, #tpu.memory_space<semaphore_mem>>) src(%dma_wait3A_159 : memref<16x1024xf32, #tpu.memory_space<hbm>>) dst(%dma_wait3A_157 : memref<16x1024xf32, #tpu.memory_space<vmem>>)
      %dma_wait3A_160 = arith.constant 0 : i32
      %dma_wait3A_161 = arith.constant 0 : i32
      %dma_wait3A_162 = arith.constant 0 : i32
      %dma_wait3A_163 = arith.constant 0 : i32
      %dma_wait3A_164 = tpu.memref_slice %arg7[%dma_wait3A_160, %dma_wait3A_162, %dma_wait3A_163] : memref<2x16x1024xi32, #tpu.memory_space<vmem>> -> memref<1x16x1024xi32, #tpu.memory_space<vmem>>
      %dma_wait3A_165 = tpu.memref_squeeze %dma_wait3A_164 : memref<1x16x1024xi32, #tpu.memory_space<vmem>> -> memref<16x1024xi32, #tpu.memory_space<vmem>>
      %dma_wait3A_166 = arith.constant 0 : i32
      %dma_wait3A_167 = tpu.memref_slice %arg3[%add3A_144, %dma_wait3A_166] : memref<16384x1024xi32, #tpu.memory_space<hbm>> -> memref<16x1024xi32, #tpu.memory_space<hbm>>
      %dma_wait3A_168 = tpu.memref_slice %arg11[%dma_wait3A_161] : memref<2x!tpu.dma_semaphore, #tpu.memory_space<semaphore_mem>> -> memref<1x!tpu.dma_semaphore, #tpu.memory_space<semaphore_mem>>
      %dma_wait3A_169 = tpu.memref_squeeze %dma_wait3A_168 : memref<1x!tpu.dma_semaphore, #tpu.memory_space<semaphore_mem>> -> memref<!tpu.dma_semaphore, #tpu.memory_space<semaphore_mem>>
      %dma_wait3A_170 = arith.constant 0 : i32
      %dma_wait3A_171 = arith.constant 0 : i32
      %dma_wait3A_172 = tpu.memref_slice %arg7[%dma_wait3A_160, %dma_wait3A_170, %dma_wait3A_171] : memref<2x16x1024xi32, #tpu.memory_space<vmem>> -> memref<1x16x1024xi32, #tpu.memory_space<vmem>>
      %dma_wait3A_173 = tpu.memref_squeeze %dma_wait3A_172 : memref<1x16x1024xi32, #tpu.memory_space<vmem>> -> memref<16x1024xi32, #tpu.memory_space<vmem>>
      %dma_wait3A_174 = arith.constant 0 : i32
      %dma_wait3A_175 = tpu.memref_slice %arg3[%add3A_144, %dma_wait3A_174] : memref<16384x1024xi32, #tpu.memory_space<hbm>> -> memref<16x1024xi32, #tpu.memory_space<hbm>>
      tpu.wait_dma2 semaphore(%dma_wait3A_169 : memref<!tpu.dma_semaphore, #tpu.memory_space<semaphore_mem>>) src(%dma_wait3A_175 : memref<16x1024xi32, #tpu.memory_space<hbm>>) dst(%dma_wait3A_173 : memref<16x1024xi32, #tpu.memory_space<vmem>>)
      %dma_wait3A_176 = arith.constant 0 : i32
      %dma_wait3A_177 = arith.constant 0 : i32
      %dma_wait3A_178 = arith.constant 0 : i32
      %dma_wait3A_179 = arith.constant 0 : i32
      %dma_wait3A_180 = tpu.memref_slice %arg8[%dma_wait3A_176, %dma_wait3A_178, %dma_wait3A_179] : memref<2x16x1024xi32, #tpu.memory_space<vmem>> -> memref<1x16x1024xi32, #tpu.memory_space<vmem>>
      %dma_wait3A_181 = tpu.memref_squeeze %dma_wait3A_180 : memref<1x16x1024xi32, #tpu.memory_space<vmem>> -> memref<16x1024xi32, #tpu.memory_space<vmem>>
      %dma_wait3A_182 = arith.constant 0 : i32
      %dma_wait3A_183 = tpu.memref_slice %arg4[%add3A_144, %dma_wait3A_182] : memref<16384x1024xi32, #tpu.memory_space<hbm>> -> memref<16x1024xi32, #tpu.memory_space<hbm>>
      %dma_wait3A_184 = tpu.memref_slice %arg12[%dma_wait3A_177] : memref<2x!tpu.dma_semaphore, #tpu.memory_space<semaphore_mem>> -> memref<1x!tpu.dma_semaphore, #tpu.memory_space<semaphore_mem>>
      %dma_wait3A_185 = tpu.memref_squeeze %dma_wait3A_184 : memref<1x!tpu.dma_semaphore, #tpu.memory_space<semaphore_mem>> -> memref<!tpu.dma_semaphore, #tpu.memory_space<semaphore_mem>>
      %dma_wait3A_186 = arith.constant 0 : i32
      %dma_wait3A_187 = arith.constant 0 : i32
      %dma_wait3A_188 = tpu.memref_slice %arg8[%dma_wait3A_176, %dma_wait3A_186, %dma_wait3A_187] : memref<2x16x1024xi32, #tpu.memory_space<vmem>> -> memref<1x16x1024xi32, #tpu.memory_space<vmem>>
      %dma_wait3A_189 = tpu.memref_squeeze %dma_wait3A_188 : memref<1x16x1024xi32, #tpu.memory_space<vmem>> -> memref<16x1024xi32, #tpu.memory_space<vmem>>
      %dma_wait3A_190 = arith.constant 0 : i32
      %dma_wait3A_191 = tpu.memref_slice %arg4[%add3A_144, %dma_wait3A_190] : memref<16384x1024xi32, #tpu.memory_space<hbm>> -> memref<16x1024xi32, #tpu.memory_space<hbm>>
      tpu.wait_dma2 semaphore(%dma_wait3A_185 : memref<!tpu.dma_semaphore, #tpu.memory_space<semaphore_mem>>) src(%dma_wait3A_191 : memref<16x1024xi32, #tpu.memory_space<hbm>>) dst(%dma_wait3A_189 : memref<16x1024xi32, #tpu.memory_space<vmem>>)
      %scan3A_192 = arith.constant 0 : i32
      %scan3A_193 = arith.constant 16 : i32
      %scan3A_194 = arith.addi %scan3A_192, %scan3A_193 : i32
      %scan3A_195 = arith.constant 1 : i32
      %scan3A_196:3 = scf.for %scan3A_262 = %scan3A_192 to %scan3A_194 step %scan3A_195 iter_args(%scan3A_263 = %scan3A_84, %scan3A_264 = %scan3A_85, %scan3A_265 = %scan3A_86) -> (vector<16xf32>, vector<16xi32>, vector<16xi32>)  : i32 {
        %scan3A_266 = arith.constant 0 : i32
        %scan3A_267 = arith.constant 16 : i32
        %scan3A_268 = arith.addi %scan3A_266, %scan3A_267 : i32
        %scan3A_269 = arith.constant 1 : i32
        %scan3A_270:3 = scf.for %scan3A_272 = %scan3A_266 to %scan3A_268 step %scan3A_269 iter_args(%scan3A_273 = %scan3A_263, %scan3A_274 = %scan3A_264, %scan3A_275 = %scan3A_265) -> (vector<16xf32>, vector<16xi32>, vector<16xi32>)  : i32 {
          %mul3A_276 = arith.constant 64 : i32
          %mul3A_277 = arith.muli %scan3A_272, %mul3A_276 : i32
          %add3A_278 = arith.constant 0 : i32
          %add3A_279 = arith.addi %mul3A_277, %add3A_278 : i32
          %get3A = arith.constant 0 : i32
          %get3A_280 = arith.index_cast %get3A : i32 to index
          %get3A_281 = arith.index_cast %scan3A_262 : i32 to index
          %get3A_282 = arith.index_cast %add3A_279 : i32 to index
          %get3A_283 = tpu.vector_load %arg6[%get3A_280, %get3A_281, %get3A_282] {strides = array<i32>} : memref<2x16x1024xf32, #tpu.memory_space<vmem>>, vector<1x1x16xf32>,
          %get3A_284 = vector.shape_cast %get3A_283 : vector<1x1x16xf32> to vector<16xf32>
          %get3A_285 = arith.constant 0 : i32
          %get3A_286 = arith.index_cast %get3A_285 : i32 to index
          %get3A_287 = arith.index_cast %scan3A_262 : i32 to index
          %get3A_288 = arith.index_cast %add3A_279 : i32 to index
          %get3A_289 = tpu.vector_load %arg7[%get3A_286, %get3A_287, %get3A_288] {strides = array<i32>} : memref<2x16x1024xi32, #tpu.memory_space<vmem>>, vector<1x1x16xi32>,
          %get3A_290 = vector.shape_cast %get3A_289 : vector<1x1x16xi32> to vector<16xi32>
          %get3A_291 = arith.constant 0 : i32
          %get3A_292 = arith.index_cast %get3A_291 : i32 to index
          %get3A_293 = arith.index_cast %scan3A_262 : i32 to index
          %get3A_294 = arith.index_cast %add3A_279 : i32 to index
          %get3A_295 = tpu.vector_load %arg8[%get3A_292, %get3A_293, %get3A_294] {strides = array<i32>} : memref<2x16x1024xi32, #tpu.memory_space<vmem>>, vector<1x1x16xi32>,
          %get3A_296 = vector.shape_cast %get3A_295 : vector<1x1x16xi32> to vector<16xi32>
          %gt3A = arith.constant 0 : i32
          %gt3A_297 = vector.broadcast %gt3A : i32 to vector<16xi32>
          %gt3A_298 = arith.cmpi sgt, %get3A_296, %gt3A_297 : vector<16xi32>
          %gt3A_299 = arith.constant 0 : i32
          %gt3A_300 = vector.broadcast %gt3A_299 : i32 to vector<16xi32>
          %gt3A_301 = arith.cmpi sgt, %get3A_290, %gt3A_300 : vector<16xi32>
          %sub3A_302 = arith.constant 1.000000e+00 : f32
          %sub3A_303 = vector.broadcast %sub3A_302 : f32 to vector<16xf32>
          %sub3A_304 = arith.subf %sub3A_303, %get3A_284 : vector<16xf32>
          %select_n3A = arith.select %gt3A_301, %get3A_284, %sub3A_304 : vector<16xi1>, vector<16xf32>
          %bitcast_convert_type3A = tpu.bitcast %select_n3A : vector<16xf32> -> vector<16xi32>
          %shift_right_logical3A = arith.constant 23 : i32
          %shift_right_logical3A_305 = vector.broadcast %shift_right_logical3A : i32 to vector<16xi32>
          %shift_right_logical3A_306 = arith.shrui %bitcast_convert_type3A, %shift_right_logical3A_305 : vector<16xi32>
          %and3A = arith.constant 8388607 : i32
          %and3A_307 = vector.broadcast %and3A : i32 to vector<16xi32>
          %and3A_308 = arith.andi %bitcast_convert_type3A, %and3A_307 : vector<16xi32>
          %or3A = arith.constant 1065353216 : i32
          %or3A_309 = vector.broadcast %or3A : i32 to vector<16xi32>
          %or3A_310 = arith.ori %and3A_308, %or3A_309 : vector<16xi32>
          %bitcast_convert_type3A_311 = tpu.bitcast %or3A_310 : vector<16xi32> -> vector<16xf32>
          %mul3A_312 = arith.constant 0.106684044 : f32
          %mul3A_313 = vector.broadcast %mul3A_312 : f32 to vector<16xf32>
          %mul3A_314 = arith.mulf %mul3A_313, %bitcast_convert_type3A_311 : vector<16xf32>
          %add3A_315 = arith.constant -7.135860e-01 : f32
          %add3A_316 = vector.broadcast %add3A_315 : f32 to vector<16xf32>
          %add3A_317 = arith.addf %mul3A_314, %add3A_316 : vector<16xf32>
          %mul3A_318 = arith.mulf %add3A_317, %bitcast_convert_type3A_311 : vector<16xf32>
          %add3A_319 = arith.constant 2.08687186 : f32
          %add3A_320 = vector.broadcast %add3A_319 : f32 to vector<16xf32>
          %add3A_321 = arith.addf %mul3A_318, %add3A_320 : vector<16xf32>
          %mul3A_322 = arith.mulf %add3A_321, %bitcast_convert_type3A_311 : vector<16xf32>
          %add3A_323 = arith.constant -1.47904456 : f32
          %add3A_324 = vector.broadcast %add3A_323 : f32 to vector<16xf32>
          %add3A_325 = arith.addf %mul3A_322, %add3A_324 : vector<16xf32>
          %jit3A = arith.constant 0.000000e+00 : f32
          %broadcast_in_dim3A_326 = vector.broadcast %jit3A : f32 to vector<16xf32>
          %select_n3A_327 = arith.select %gt3A_298, %add3A_325, %broadcast_in_dim3A_326 : vector<16xi1>, vector<16xf32>
          %jit3A_328 = arith.constant 0 : i32
          %broadcast_in_dim3A_329 = vector.broadcast %jit3A_328 : i32 to vector<16xi32>
          %select_n3A_330 = arith.select %gt3A_298, %shift_right_logical3A_306, %broadcast_in_dim3A_329 : vector<16xi1>, vector<16xi32>
          %add3A_331 = arith.addi %scan3A_274, %select_n3A_330 : vector<16xi32>
          %add3A_332 = arith.addi %scan3A_275, %get3A_296 : vector<16xi32>
          %mul3A_333 = arith.constant 64 : i32
          %mul3A_334 = arith.muli %scan3A_272, %mul3A_333 : i32
          %add3A_335 = arith.constant 16 : i32
          %add3A_336 = arith.addi %mul3A_334, %add3A_335 : i32
          %get3A_337 = arith.constant 0 : i32
          %get3A_338 = arith.index_cast %get3A_337 : i32 to index
          %get3A_339 = arith.index_cast %scan3A_262 : i32 to index
          %get3A_340 = arith.index_cast %add3A_336 : i32 to index
          %get3A_341 = tpu.vector_load %arg6[%get3A_338, %get3A_339, %get3A_340] {strides = array<i32>} : memref<2x16x1024xf32, #tpu.memory_space<vmem>>, vector<1x1x16xf32>,
          %get3A_342 = vector.shape_cast %get3A_341 : vector<1x1x16xf32> to vector<16xf32>
          %get3A_343 = arith.constant 0 : i32
          %get3A_344 = arith.index_cast %get3A_343 : i32 to index
          %get3A_345 = arith.index_cast %scan3A_262 : i32 to index
          %get3A_346 = arith.index_cast %add3A_336 : i32 to index
          %get3A_347 = tpu.vector_load %arg7[%get3A_344, %get3A_345, %get3A_346] {strides = array<i32>} : memref<2x16x1024xi32, #tpu.memory_space<vmem>>, vector<1x1x16xi32>,
          %get3A_348 = vector.shape_cast %get3A_347 : vector<1x1x16xi32> to vector<16xi32>
          %get3A_349 = arith.constant 0 : i32
          %get3A_350 = arith.index_cast %get3A_349 : i32 to index
          %get3A_351 = arith.index_cast %scan3A_262 : i32 to index
          %get3A_352 = arith.index_cast %add3A_336 : i32 to index
          %get3A_353 = tpu.vector_load %arg8[%get3A_350, %get3A_351, %get3A_352] {strides = array<i32>} : memref<2x16x1024xi32, #tpu.memory_space<vmem>>, vector<1x1x16xi32>,
          %get3A_354 = vector.shape_cast %get3A_353 : vector<1x1x16xi32> to vector<16xi32>
          %gt3A_355 = arith.constant 0 : i32
          %gt3A_356 = vector.broadcast %gt3A_355 : i32 to vector<16xi32>
          %gt3A_357 = arith.cmpi sgt, %get3A_354, %gt3A_356 : vector<16xi32>
          %gt3A_358 = arith.constant 0 : i32
          %gt3A_359 = vector.broadcast %gt3A_358 : i32 to vector<16xi32>
          %gt3A_360 = arith.cmpi sgt, %get3A_348, %gt3A_359 : vector<16xi32>
          %sub3A_361 = arith.constant 1.000000e+00 : f32
          %sub3A_362 = vector.broadcast %sub3A_361 : f32 to vector<16xf32>
          %sub3A_363 = arith.subf %sub3A_362, %get3A_342 : vector<16xf32>
          %select_n3A_364 = arith.select %gt3A_360, %get3A_342, %sub3A_363 : vector<16xi1>, vector<16xf32>
          %bitcast_convert_type3A_365 = tpu.bitcast %select_n3A_364 : vector<16xf32> -> vector<16xi32>
          %shift_right_logical3A_366 = arith.constant 23 : i32
          %shift_right_logical3A_367 = vector.broadcast %shift_right_logical3A_366 : i32 to vector<16xi32>
          %shift_right_logical3A_368 = arith.shrui %bitcast_convert_type3A_365, %shift_right_logical3A_367 : vector<16xi32>
          %and3A_369 = arith.constant 8388607 : i32
          %and3A_370 = vector.broadcast %and3A_369 : i32 to vector<16xi32>
          %and3A_371 = arith.andi %bitcast_convert_type3A_365, %and3A_370 : vector<16xi32>
          %or3A_372 = arith.constant 1065353216 : i32
          %or3A_373 = vector.broadcast %or3A_372 : i32 to vector<16xi32>
          %or3A_374 = arith.ori %and3A_371, %or3A_373 : vector<16xi32>
          %bitcast_convert_type3A_375 = tpu.bitcast %or3A_374 : vector<16xi32> -> vector<16xf32>
          %mul3A_376 = arith.constant 0.106684044 : f32
          %mul3A_377 = vector.broadcast %mul3A_376 : f32 to vector<16xf32>
          %mul3A_378 = arith.mulf %mul3A_377, %bitcast_convert_type3A_375 : vector<16xf32>
          %add3A_379 = arith.constant -7.135860e-01 : f32
          %add3A_380 = vector.broadcast %add3A_379 : f32 to vector<16xf32>
          %add3A_381 = arith.addf %mul3A_378, %add3A_380 : vector<16xf32>
          %mul3A_382 = arith.mulf %add3A_381, %bitcast_convert_type3A_375 : vector<16xf32>
          %add3A_383 = arith.constant 2.08687186 : f32
          %add3A_384 = vector.broadcast %add3A_383 : f32 to vector<16xf32>
          %add3A_385 = arith.addf %mul3A_382, %add3A_384 : vector<16xf32>
          %mul3A_386 = arith.mulf %add3A_385, %bitcast_convert_type3A_375 : vector<16xf32>
          %add3A_387 = arith.constant -1.47904456 : f32
          %add3A_388 = vector.broadcast %add3A_387 : f32 to vector<16xf32>
          %add3A_389 = arith.addf %mul3A_386, %add3A_388 : vector<16xf32>
          %jit3A_390 = arith.constant 0.000000e+00 : f32
          %broadcast_in_dim3A_391 = vector.broadcast %jit3A_390 : f32 to vector<16xf32>
          %select_n3A_392 = arith.select %gt3A_357, %add3A_389, %broadcast_in_dim3A_391 : vector<16xi1>, vector<16xf32>
          %jit3A_393 = arith.constant 0 : i32
          %broadcast_in_dim3A_394 = vector.broadcast %jit3A_393 : i32 to vector<16xi32>
          %select_n3A_395 = arith.select %gt3A_357, %shift_right_logical3A_368, %broadcast_in_dim3A_394 : vector<16xi1>, vector<16xi32>
          %add3A_396 = arith.addi %add3A_331, %select_n3A_395 : vector<16xi32>
          %add3A_397 = arith.addi %add3A_332, %get3A_354 : vector<16xi32>
          %mul3A_398 = arith.constant 64 : i32
          %mul3A_399 = arith.muli %scan3A_272, %mul3A_398 : i32
          %add3A_400 = arith.constant 32 : i32
          %add3A_401 = arith.addi %mul3A_399, %add3A_400 : i32
          %get3A_402 = arith.constant 0 : i32
          %get3A_403 = arith.index_cast %get3A_402 : i32 to index
          %get3A_404 = arith.index_cast %scan3A_262 : i32 to index
          %get3A_405 = arith.index_cast %add3A_401 : i32 to index
          %get3A_406 = tpu.vector_load %arg6[%get3A_403, %get3A_404, %get3A_405] {strides = array<i32>} : memref<2x16x1024xf32, #tpu.memory_space<vmem>>, vector<1x1x16xf32>,
          %get3A_407 = vector.shape_cast %get3A_406 : vector<1x1x16xf32> to vector<16xf32>
          %get3A_408 = arith.constant 0 : i32
          %get3A_409 = arith.index_cast %get3A_408 : i32 to index
          %get3A_410 = arith.index_cast %scan3A_262 : i32 to index
          %get3A_411 = arith.index_cast %add3A_401 : i32 to index
          %get3A_412 = tpu.vector_load %arg7[%get3A_409, %get3A_410, %get3A_411] {strides = array<i32>} : memref<2x16x1024xi32, #tpu.memory_space<vmem>>, vector<1x1x16xi32>,
          %get3A_413 = vector.shape_cast %get3A_412 : vector<1x1x16xi32> to vector<16xi32>
          %get3A_414 = arith.constant 0 : i32
          %get3A_415 = arith.index_cast %get3A_414 : i32 to index
          %get3A_416 = arith.index_cast %scan3A_262 : i32 to index
          %get3A_417 = arith.index_cast %add3A_401 : i32 to index
          %get3A_418 = tpu.vector_load %arg8[%get3A_415, %get3A_416, %get3A_417] {strides = array<i32>} : memref<2x16x1024xi32, #tpu.memory_space<vmem>>, vector<1x1x16xi32>,
          %get3A_419 = vector.shape_cast %get3A_418 : vector<1x1x16xi32> to vector<16xi32>
          %gt3A_420 = arith.constant 0 : i32
          %gt3A_421 = vector.broadcast %gt3A_420 : i32 to vector<16xi32>
          %gt3A_422 = arith.cmpi sgt, %get3A_419, %gt3A_421 : vector<16xi32>
          %gt3A_423 = arith.constant 0 : i32
          %gt3A_424 = vector.broadcast %gt3A_423 : i32 to vector<16xi32>
          %gt3A_425 = arith.cmpi sgt, %get3A_413, %gt3A_424 : vector<16xi32>
          %sub3A_426 = arith.constant 1.000000e+00 : f32
          %sub3A_427 = vector.broadcast %sub3A_426 : f32 to vector<16xf32>
          %sub3A_428 = arith.subf %sub3A_427, %get3A_407 : vector<16xf32>
          %select_n3A_429 = arith.select %gt3A_425, %get3A_407, %sub3A_428 : vector<16xi1>, vector<16xf32>
          %bitcast_convert_type3A_430 = tpu.bitcast %select_n3A_429 : vector<16xf32> -> vector<16xi32>
          %shift_right_logical3A_431 = arith.constant 23 : i32
          %shift_right_logical3A_432 = vector.broadcast %shift_right_logical3A_431 : i32 to vector<16xi32>
          %shift_right_logical3A_433 = arith.shrui %bitcast_convert_type3A_430, %shift_right_logical3A_432 : vector<16xi32>
          %and3A_434 = arith.constant 8388607 : i32
          %and3A_435 = vector.broadcast %and3A_434 : i32 to vector<16xi32>
          %and3A_436 = arith.andi %bitcast_convert_type3A_430, %and3A_435 : vector<16xi32>
          %or3A_437 = arith.constant 1065353216 : i32
          %or3A_438 = vector.broadcast %or3A_437 : i32 to vector<16xi32>
          %or3A_439 = arith.ori %and3A_436, %or3A_438 : vector<16xi32>
          %bitcast_convert_type3A_440 = tpu.bitcast %or3A_439 : vector<16xi32> -> vector<16xf32>
          %mul3A_441 = arith.constant 0.106684044 : f32
          %mul3A_442 = vector.broadcast %mul3A_441 : f32 to vector<16xf32>
          %mul3A_443 = arith.mulf %mul3A_442, %bitcast_convert_type3A_440 : vector<16xf32>
          %add3A_444 = arith.constant -7.135860e-01 : f32
          %add3A_445 = vector.broadcast %add3A_444 : f32 to vector<16xf32>
          %add3A_446 = arith.addf %mul3A_443, %add3A_445 : vector<16xf32>
          %mul3A_447 = arith.mulf %add3A_446, %bitcast_convert_type3A_440 : vector<16xf32>
          %add3A_448 = arith.constant 2.08687186 : f32
          %add3A_449 = vector.broadcast %add3A_448 : f32 to vector<16xf32>
          %add3A_450 = arith.addf %mul3A_447, %add3A_449 : vector<16xf32>
          %mul3A_451 = arith.mulf %add3A_450, %bitcast_convert_type3A_440 : vector<16xf32>
          %add3A_452 = arith.constant -1.47904456 : f32
          %add3A_453 = vector.broadcast %add3A_452 : f32 to vector<16xf32>
          %add3A_454 = arith.addf %mul3A_451, %add3A_453 : vector<16xf32>
          %jit3A_455 = arith.constant 0.000000e+00 : f32
          %broadcast_in_dim3A_456 = vector.broadcast %jit3A_455 : f32 to vector<16xf32>
          %select_n3A_457 = arith.select %gt3A_422, %add3A_454, %broadcast_in_dim3A_456 : vector<16xi1>, vector<16xf32>
          %jit3A_458 = arith.constant 0 : i32
          %broadcast_in_dim3A_459 = vector.broadcast %jit3A_458 : i32 to vector<16xi32>
          %select_n3A_460 = arith.select %gt3A_422, %shift_right_logical3A_433, %broadcast_in_dim3A_459 : vector<16xi1>, vector<16xi32>
          %add3A_461 = arith.addi %add3A_396, %select_n3A_460 : vector<16xi32>
          %add3A_462 = arith.addi %add3A_397, %get3A_419 : vector<16xi32>
          %mul3A_463 = arith.constant 64 : i32
          %mul3A_464 = arith.muli %scan3A_272, %mul3A_463 : i32
          %add3A_465 = arith.constant 48 : i32
          %add3A_466 = arith.addi %mul3A_464, %add3A_465 : i32
          %get3A_467 = arith.constant 0 : i32
          %get3A_468 = arith.index_cast %get3A_467 : i32 to index
          %get3A_469 = arith.index_cast %scan3A_262 : i32 to index
          %get3A_470 = arith.index_cast %add3A_466 : i32 to index
          %get3A_471 = tpu.vector_load %arg6[%get3A_468, %get3A_469, %get3A_470] {strides = array<i32>} : memref<2x16x1024xf32, #tpu.memory_space<vmem>>, vector<1x1x16xf32>,
          %get3A_472 = vector.shape_cast %get3A_471 : vector<1x1x16xf32> to vector<16xf32>
          %get3A_473 = arith.constant 0 : i32
          %get3A_474 = arith.index_cast %get3A_473 : i32 to index
          %get3A_475 = arith.index_cast %scan3A_262 : i32 to index
          %get3A_476 = arith.index_cast %add3A_466 : i32 to index
          %get3A_477 = tpu.vector_load %arg7[%get3A_474, %get3A_475, %get3A_476] {strides = array<i32>} : memref<2x16x1024xi32, #tpu.memory_space<vmem>>, vector<1x1x16xi32>,
          %get3A_478 = vector.shape_cast %get3A_477 : vector<1x1x16xi32> to vector<16xi32>
          %get3A_479 = arith.constant 0 : i32
          %get3A_480 = arith.index_cast %get3A_479 : i32 to index
          %get3A_481 = arith.index_cast %scan3A_262 : i32 to index
          %get3A_482 = arith.index_cast %add3A_466 : i32 to index
          %get3A_483 = tpu.vector_load %arg8[%get3A_480, %get3A_481, %get3A_482] {strides = array<i32>} : memref<2x16x1024xi32, #tpu.memory_space<vmem>>, vector<1x1x16xi32>,
          %get3A_484 = vector.shape_cast %get3A_483 : vector<1x1x16xi32> to vector<16xi32>
          %gt3A_485 = arith.constant 0 : i32
          %gt3A_486 = vector.broadcast %gt3A_485 : i32 to vector<16xi32>
          %gt3A_487 = arith.cmpi sgt, %get3A_484, %gt3A_486 : vector<16xi32>
          %gt3A_488 = arith.constant 0 : i32
          %gt3A_489 = vector.broadcast %gt3A_488 : i32 to vector<16xi32>
          %gt3A_490 = arith.cmpi sgt, %get3A_478, %gt3A_489 : vector<16xi32>
          %sub3A_491 = arith.constant 1.000000e+00 : f32
          %sub3A_492 = vector.broadcast %sub3A_491 : f32 to vector<16xf32>
          %sub3A_493 = arith.subf %sub3A_492, %get3A_472 : vector<16xf32>
          %select_n3A_494 = arith.select %gt3A_490, %get3A_472, %sub3A_493 : vector<16xi1>, vector<16xf32>
          %bitcast_convert_type3A_495 = tpu.bitcast %select_n3A_494 : vector<16xf32> -> vector<16xi32>
          %shift_right_logical3A_496 = arith.constant 23 : i32
          %shift_right_logical3A_497 = vector.broadcast %shift_right_logical3A_496 : i32 to vector<16xi32>
          %shift_right_logical3A_498 = arith.shrui %bitcast_convert_type3A_495, %shift_right_logical3A_497 : vector<16xi32>
          %and3A_499 = arith.constant 8388607 : i32
          %and3A_500 = vector.broadcast %and3A_499 : i32 to vector<16xi32>
          %and3A_501 = arith.andi %bitcast_convert_type3A_495, %and3A_500 : vector<16xi32>
          %or3A_502 = arith.constant 1065353216 : i32
          %or3A_503 = vector.broadcast %or3A_502 : i32 to vector<16xi32>
          %or3A_504 = arith.ori %and3A_501, %or3A_503 : vector<16xi32>
          %bitcast_convert_type3A_505 = tpu.bitcast %or3A_504 : vector<16xi32> -> vector<16xf32>
          %mul3A_506 = arith.constant 0.106684044 : f32
          %mul3A_507 = vector.broadcast %mul3A_506 : f32 to vector<16xf32>
          %mul3A_508 = arith.mulf %mul3A_507, %bitcast_convert_type3A_505 : vector<16xf32>
          %add3A_509 = arith.constant -7.135860e-01 : f32
          %add3A_510 = vector.broadcast %add3A_509 : f32 to vector<16xf32>
          %add3A_511 = arith.addf %mul3A_508, %add3A_510 : vector<16xf32>
          %mul3A_512 = arith.mulf %add3A_511, %bitcast_convert_type3A_505 : vector<16xf32>
          %add3A_513 = arith.constant 2.08687186 : f32
          %add3A_514 = vector.broadcast %add3A_513 : f32 to vector<16xf32>
          %add3A_515 = arith.addf %mul3A_512, %add3A_514 : vector<16xf32>
          %mul3A_516 = arith.mulf %add3A_515, %bitcast_convert_type3A_505 : vector<16xf32>
          %add3A_517 = arith.constant -1.47904456 : f32
          %add3A_518 = vector.broadcast %add3A_517 : f32 to vector<16xf32>
          %add3A_519 = arith.addf %mul3A_516, %add3A_518 : vector<16xf32>
          %jit3A_520 = arith.constant 0.000000e+00 : f32
          %broadcast_in_dim3A_521 = vector.broadcast %jit3A_520 : f32 to vector<16xf32>
          %select_n3A_522 = arith.select %gt3A_487, %add3A_519, %broadcast_in_dim3A_521 : vector<16xi1>, vector<16xf32>
          %jit3A_523 = arith.constant 0 : i32
          %broadcast_in_dim3A_524 = vector.broadcast %jit3A_523 : i32 to vector<16xi32>
          %select_n3A_525 = arith.select %gt3A_487, %shift_right_logical3A_498, %broadcast_in_dim3A_524 : vector<16xi1>, vector<16xi32>
          %add3A_526 = arith.addi %add3A_461, %select_n3A_525 : vector<16xi32>
          %add3A_527 = arith.addi %add3A_462, %get3A_484 : vector<16xi32>
          %add3A_528 = arith.addf %select_n3A_327, %select_n3A_392 : vector<16xf32>
          %add3A_529 = arith.addf %select_n3A_457, %select_n3A_522 : vector<16xf32>
          %add3A_530 = arith.addf %add3A_528, %add3A_529 : vector<16xf32>
          %add3A_531 = arith.addf %scan3A_273, %add3A_530 : vector<16xf32>
          scf.yield %add3A_531, %add3A_526, %add3A_527 : vector<16xf32>, vector<16xi32>, vector<16xi32>
        }
        %scan3A_271 = arith.constant 16 : i32
        scf.yield %scan3A_270#0, %scan3A_270#1, %scan3A_270#2 : vector<16xf32>, vector<16xi32>, vector<16xi32>
      }
      %scan3A_197 = arith.constant 16 : i32
      %add3A_198 = arith.constant 2 : i32
      %add3A_199 = arith.addi %mul3A_88, %add3A_198 : i32
      %lt3A = arith.constant 8 : i32
      %lt3A_200 = arith.cmpi slt, %add3A_199, %lt3A : i32
      %convert_element_type3A_201 = arith.extui %lt3A_200 : i1 to i32
      %cond3A = arith.constant 0 : i32
      %cond3A_202 = arith.cmpi ne, %convert_element_type3A_201, %cond3A : i32
      scf.if %cond3A_202 {
        %add3A_262 = arith.constant 2 : i32
        %add3A_263 = arith.addi %mul3A_88, %add3A_262 : i32
        %mul3A_264 = arith.constant 16 : i32
        %mul3A_265 = arith.muli %add3A_263, %mul3A_264 : i32
        %add3A_266 = arith.addi %mul3A_2, %mul3A_265 : i32
        %dma_start3A_267 = arith.constant 0 : i32
        %dma_start3A_268 = arith.constant 0 : i32
        %dma_start3A_269 = arith.constant 0 : i32
        %dma_start3A_270 = arith.constant 0 : i32
        %dma_start3A_271 = tpu.memref_slice %arg6[%dma_start3A_267, %dma_start3A_269, %dma_start3A_270] : memref<2x16x1024xf32, #tpu.memory_space<vmem>> -> memref<1x16x1024xf32, #tpu.memory_space<vmem>>
        %dma_start3A_272 = tpu.memref_squeeze %dma_start3A_271 : memref<1x16x1024xf32, #tpu.memory_space<vmem>> -> memref<16x1024xf32, #tpu.memory_space<vmem>>
        %dma_start3A_273 = arith.constant 0 : i32
        %dma_start3A_274 = tpu.memref_slice %arg2[%add3A_266, %dma_start3A_273] : memref<16384x1024xf32, #tpu.memory_space<hbm>> -> memref<16x1024xf32, #tpu.memory_space<hbm>>
        %dma_start3A_275 = tpu.memref_slice %arg10[%dma_start3A_268] : memref<2x!tpu.dma_semaphore, #tpu.memory_space<semaphore_mem>> -> memref<1x!tpu.dma_semaphore, #tpu.memory_space<semaphore_mem>>
        %dma_start3A_276 = tpu.memref_squeeze %dma_start3A_275 : memref<1x!tpu.dma_semaphore, #tpu.memory_space<semaphore_mem>> -> memref<!tpu.dma_semaphore, #tpu.memory_space<semaphore_mem>>
        %dma_start3A_277 = arith.constant 0 : i32
        %dma_start3A_278 = arith.constant 0 : i32
        %dma_start3A_279 = tpu.memref_slice %arg6[%dma_start3A_267, %dma_start3A_277, %dma_start3A_278] : memref<2x16x1024xf32, #tpu.memory_space<vmem>> -> memref<1x16x1024xf32, #tpu.memory_space<vmem>>
        %dma_start3A_280 = tpu.memref_squeeze %dma_start3A_279 : memref<1x16x1024xf32, #tpu.memory_space<vmem>> -> memref<16x1024xf32, #tpu.memory_space<vmem>>
        %dma_start3A_281 = arith.constant 0 : i32
        %dma_start3A_282 = tpu.memref_slice %arg2[%add3A_266, %dma_start3A_281] : memref<16384x1024xf32, #tpu.memory_space<hbm>> -> memref<16x1024xf32, #tpu.memory_space<hbm>>
        tpu.enqueue_dma source(%dma_start3A_282 : memref<16x1024xf32, #tpu.memory_space<hbm>>) target(%dma_start3A_280 : memref<16x1024xf32, #tpu.memory_space<vmem>>) target_semaphore(%dma_start3A_276 : memref<!tpu.dma_semaphore, #tpu.memory_space<semaphore_mem>>)
        %dma_start3A_283 = arith.constant 0 : i32
        %dma_start3A_284 = arith.constant 0 : i32
        %dma_start3A_285 = arith.constant 0 : i32
        %dma_start3A_286 = arith.constant 0 : i32
        %dma_start3A_287 = tpu.memref_slice %arg7[%dma_start3A_283, %dma_start3A_285, %dma_start3A_286] : memref<2x16x1024xi32, #tpu.memory_space<vmem>> -> memref<1x16x1024xi32, #tpu.memory_space<vmem>>
        %dma_start3A_288 = tpu.memref_squeeze %dma_start3A_287 : memref<1x16x1024xi32, #tpu.memory_space<vmem>> -> memref<16x1024xi32, #tpu.memory_space<vmem>>
        %dma_start3A_289 = arith.constant 0 : i32
        %dma_start3A_290 = tpu.memref_slice %arg3[%add3A_266, %dma_start3A_289] : memref<16384x1024xi32, #tpu.memory_space<hbm>> -> memref<16x1024xi32, #tpu.memory_space<hbm>>
        %dma_start3A_291 = tpu.memref_slice %arg11[%dma_start3A_284] : memref<2x!tpu.dma_semaphore, #tpu.memory_space<semaphore_mem>> -> memref<1x!tpu.dma_semaphore, #tpu.memory_space<semaphore_mem>>
        %dma_start3A_292 = tpu.memref_squeeze %dma_start3A_291 : memref<1x!tpu.dma_semaphore, #tpu.memory_space<semaphore_mem>> -> memref<!tpu.dma_semaphore, #tpu.memory_space<semaphore_mem>>
        %dma_start3A_293 = arith.constant 0 : i32
        %dma_start3A_294 = arith.constant 0 : i32
        %dma_start3A_295 = tpu.memref_slice %arg7[%dma_start3A_283, %dma_start3A_293, %dma_start3A_294] : memref<2x16x1024xi32, #tpu.memory_space<vmem>> -> memref<1x16x1024xi32, #tpu.memory_space<vmem>>
        %dma_start3A_296 = tpu.memref_squeeze %dma_start3A_295 : memref<1x16x1024xi32, #tpu.memory_space<vmem>> -> memref<16x1024xi32, #tpu.memory_space<vmem>>
        %dma_start3A_297 = arith.constant 0 : i32
        %dma_start3A_298 = tpu.memref_slice %arg3[%add3A_266, %dma_start3A_297] : memref<16384x1024xi32, #tpu.memory_space<hbm>> -> memref<16x1024xi32, #tpu.memory_space<hbm>>
        tpu.enqueue_dma source(%dma_start3A_298 : memref<16x1024xi32, #tpu.memory_space<hbm>>) target(%dma_start3A_296 : memref<16x1024xi32, #tpu.memory_space<vmem>>) target_semaphore(%dma_start3A_292 : memref<!tpu.dma_semaphore, #tpu.memory_space<semaphore_mem>>)
        %dma_start3A_299 = arith.constant 0 : i32
        %dma_start3A_300 = arith.constant 0 : i32
        %dma_start3A_301 = arith.constant 0 : i32
        %dma_start3A_302 = arith.constant 0 : i32
        %dma_start3A_303 = tpu.memref_slice %arg8[%dma_start3A_299, %dma_start3A_301, %dma_start3A_302] : memref<2x16x1024xi32, #tpu.memory_space<vmem>> -> memref<1x16x1024xi32, #tpu.memory_space<vmem>>
        %dma_start3A_304 = tpu.memref_squeeze %dma_start3A_303 : memref<1x16x1024xi32, #tpu.memory_space<vmem>> -> memref<16x1024xi32, #tpu.memory_space<vmem>>
        %dma_start3A_305 = arith.constant 0 : i32
        %dma_start3A_306 = tpu.memref_slice %arg4[%add3A_266, %dma_start3A_305] : memref<16384x1024xi32, #tpu.memory_space<hbm>> -> memref<16x1024xi32, #tpu.memory_space<hbm>>
        %dma_start3A_307 = tpu.memref_slice %arg12[%dma_start3A_300] : memref<2x!tpu.dma_semaphore, #tpu.memory_space<semaphore_mem>> -> memref<1x!tpu.dma_semaphore, #tpu.memory_space<semaphore_mem>>
        %dma_start3A_308 = tpu.memref_squeeze %dma_start3A_307 : memref<1x!tpu.dma_semaphore, #tpu.memory_space<semaphore_mem>> -> memref<!tpu.dma_semaphore, #tpu.memory_space<semaphore_mem>>
        %dma_start3A_309 = arith.constant 0 : i32
        %dma_start3A_310 = arith.constant 0 : i32
        %dma_start3A_311 = tpu.memref_slice %arg8[%dma_start3A_299, %dma_start3A_309, %dma_start3A_310] : memref<2x16x1024xi32, #tpu.memory_space<vmem>> -> memref<1x16x1024xi32, #tpu.memory_space<vmem>>
        %dma_start3A_312 = tpu.memref_squeeze %dma_start3A_311 : memref<1x16x1024xi32, #tpu.memory_space<vmem>> -> memref<16x1024xi32, #tpu.memory_space<vmem>>
        %dma_start3A_313 = arith.constant 0 : i32
        %dma_start3A_314 = tpu.memref_slice %arg4[%add3A_266, %dma_start3A_313] : memref<16384x1024xi32, #tpu.memory_space<hbm>> -> memref<16x1024xi32, #tpu.memory_space<hbm>>
        tpu.enqueue_dma source(%dma_start3A_314 : memref<16x1024xi32, #tpu.memory_space<hbm>>) target(%dma_start3A_312 : memref<16x1024xi32, #tpu.memory_space<vmem>>) target_semaphore(%dma_start3A_308 : memref<!tpu.dma_semaphore, #tpu.memory_space<semaphore_mem>>)
      } else {
      }
      %add3A_203 = arith.constant 1 : i32
      %add3A_204 = arith.addi %mul3A_88, %add3A_203 : i32
      %mul3A_205 = arith.constant 16 : i32
      %mul3A_206 = arith.muli %add3A_204, %mul3A_205 : i32
      %add3A_207 = arith.addi %mul3A_2, %mul3A_206 : i32
      %dma_wait3A_208 = arith.constant 1 : i32
      %dma_wait3A_209 = arith.constant 1 : i32
      %dma_wait3A_210 = arith.constant 0 : i32
      %dma_wait3A_211 = arith.constant 0 : i32
      %dma_wait3A_212 = tpu.memref_slice %arg6[%dma_wait3A_208, %dma_wait3A_210, %dma_wait3A_211] : memref<2x16x1024xf32, #tpu.memory_space<vmem>> -> memref<1x16x1024xf32, #tpu.memory_space<vmem>>
      %dma_wait3A_213 = tpu.memref_squeeze %dma_wait3A_212 : memref<1x16x1024xf32, #tpu.memory_space<vmem>> -> memref<16x1024xf32, #tpu.memory_space<vmem>>
      %dma_wait3A_214 = arith.constant 0 : i32
      %dma_wait3A_215 = tpu.memref_slice %arg2[%add3A_207, %dma_wait3A_214] : memref<16384x1024xf32, #tpu.memory_space<hbm>> -> memref<16x1024xf32, #tpu.memory_space<hbm>>
      %dma_wait3A_216 = tpu.memref_slice %arg10[%dma_wait3A_209] : memref<2x!tpu.dma_semaphore, #tpu.memory_space<semaphore_mem>> -> memref<1x!tpu.dma_semaphore, #tpu.memory_space<semaphore_mem>>
      %dma_wait3A_217 = tpu.memref_squeeze %dma_wait3A_216 : memref<1x!tpu.dma_semaphore, #tpu.memory_space<semaphore_mem>> -> memref<!tpu.dma_semaphore, #tpu.memory_space<semaphore_mem>>
      %dma_wait3A_218 = arith.constant 0 : i32
      %dma_wait3A_219 = arith.constant 0 : i32
      %dma_wait3A_220 = tpu.memref_slice %arg6[%dma_wait3A_208, %dma_wait3A_218, %dma_wait3A_219] : memref<2x16x1024xf32, #tpu.memory_space<vmem>> -> memref<1x16x1024xf32, #tpu.memory_space<vmem>>
      %dma_wait3A_221 = tpu.memref_squeeze %dma_wait3A_220 : memref<1x16x1024xf32, #tpu.memory_space<vmem>> -> memref<16x1024xf32, #tpu.memory_space<vmem>>
      %dma_wait3A_222 = arith.constant 0 : i32
      %dma_wait3A_223 = tpu.memref_slice %arg2[%add3A_207, %dma_wait3A_222] : memref<16384x1024xf32, #tpu.memory_space<hbm>> -> memref<16x1024xf32, #tpu.memory_space<hbm>>
      tpu.wait_dma2 semaphore(%dma_wait3A_217 : memref<!tpu.dma_semaphore, #tpu.memory_space<semaphore_mem>>) src(%dma_wait3A_223 : memref<16x1024xf32, #tpu.memory_space<hbm>>) dst(%dma_wait3A_221 : memref<16x1024xf32, #tpu.memory_space<vmem>>)
      %dma_wait3A_224 = arith.constant 1 : i32
      %dma_wait3A_225 = arith.constant 1 : i32
      %dma_wait3A_226 = arith.constant 0 : i32
      %dma_wait3A_227 = arith.constant 0 : i32
      %dma_wait3A_228 = tpu.memref_slice %arg7[%dma_wait3A_224, %dma_wait3A_226, %dma_wait3A_227] : memref<2x16x1024xi32, #tpu.memory_space<vmem>> -> memref<1x16x1024xi32, #tpu.memory_space<vmem>>
      %dma_wait3A_229 = tpu.memref_squeeze %dma_wait3A_228 : memref<1x16x1024xi32, #tpu.memory_space<vmem>> -> memref<16x1024xi32, #tpu.memory_space<vmem>>
      %dma_wait3A_230 = arith.constant 0 : i32
      %dma_wait3A_231 = tpu.memref_slice %arg3[%add3A_207, %dma_wait3A_230] : memref<16384x1024xi32, #tpu.memory_space<hbm>> -> memref<16x1024xi32, #tpu.memory_space<hbm>>
      %dma_wait3A_232 = tpu.memref_slice %arg11[%dma_wait3A_225] : memref<2x!tpu.dma_semaphore, #tpu.memory_space<semaphore_mem>> -> memref<1x!tpu.dma_semaphore, #tpu.memory_space<semaphore_mem>>
      %dma_wait3A_233 = tpu.memref_squeeze %dma_wait3A_232 : memref<1x!tpu.dma_semaphore, #tpu.memory_space<semaphore_mem>> -> memref<!tpu.dma_semaphore, #tpu.memory_space<semaphore_mem>>
      %dma_wait3A_234 = arith.constant 0 : i32
      %dma_wait3A_235 = arith.constant 0 : i32
      %dma_wait3A_236 = tpu.memref_slice %arg7[%dma_wait3A_224, %dma_wait3A_234, %dma_wait3A_235] : memref<2x16x1024xi32, #tpu.memory_space<vmem>> -> memref<1x16x1024xi32, #tpu.memory_space<vmem>>
      %dma_wait3A_237 = tpu.memref_squeeze %dma_wait3A_236 : memref<1x16x1024xi32, #tpu.memory_space<vmem>> -> memref<16x1024xi32, #tpu.memory_space<vmem>>
      %dma_wait3A_238 = arith.constant 0 : i32
      %dma_wait3A_239 = tpu.memref_slice %arg3[%add3A_207, %dma_wait3A_238] : memref<16384x1024xi32, #tpu.memory_space<hbm>> -> memref<16x1024xi32, #tpu.memory_space<hbm>>
      tpu.wait_dma2 semaphore(%dma_wait3A_233 : memref<!tpu.dma_semaphore, #tpu.memory_space<semaphore_mem>>) src(%dma_wait3A_239 : memref<16x1024xi32, #tpu.memory_space<hbm>>) dst(%dma_wait3A_237 : memref<16x1024xi32, #tpu.memory_space<vmem>>)
      %dma_wait3A_240 = arith.constant 1 : i32
      %dma_wait3A_241 = arith.constant 1 : i32
      %dma_wait3A_242 = arith.constant 0 : i32
      %dma_wait3A_243 = arith.constant 0 : i32
      %dma_wait3A_244 = tpu.memref_slice %arg8[%dma_wait3A_240, %dma_wait3A_242, %dma_wait3A_243] : memref<2x16x1024xi32, #tpu.memory_space<vmem>> -> memref<1x16x1024xi32, #tpu.memory_space<vmem>>
      %dma_wait3A_245 = tpu.memref_squeeze %dma_wait3A_244 : memref<1x16x1024xi32, #tpu.memory_space<vmem>> -> memref<16x1024xi32, #tpu.memory_space<vmem>>
      %dma_wait3A_246 = arith.constant 0 : i32
      %dma_wait3A_247 = tpu.memref_slice %arg4[%add3A_207, %dma_wait3A_246] : memref<16384x1024xi32, #tpu.memory_space<hbm>> -> memref<16x1024xi32, #tpu.memory_space<hbm>>
      %dma_wait3A_248 = tpu.memref_slice %arg12[%dma_wait3A_241] : memref<2x!tpu.dma_semaphore, #tpu.memory_space<semaphore_mem>> -> memref<1x!tpu.dma_semaphore, #tpu.memory_space<semaphore_mem>>
      %dma_wait3A_249 = tpu.memref_squeeze %dma_wait3A_248 : memref<1x!tpu.dma_semaphore, #tpu.memory_space<semaphore_mem>> -> memref<!tpu.dma_semaphore, #tpu.memory_space<semaphore_mem>>
      %dma_wait3A_250 = arith.constant 0 : i32
      %dma_wait3A_251 = arith.constant 0 : i32
      %dma_wait3A_252 = tpu.memref_slice %arg8[%dma_wait3A_240, %dma_wait3A_250, %dma_wait3A_251] : memref<2x16x1024xi32, #tpu.memory_space<vmem>> -> memref<1x16x1024xi32, #tpu.memory_space<vmem>>
      %dma_wait3A_253 = tpu.memref_squeeze %dma_wait3A_252 : memref<1x16x1024xi32, #tpu.memory_space<vmem>> -> memref<16x1024xi32, #tpu.memory_space<vmem>>
      %dma_wait3A_254 = arith.constant 0 : i32
      %dma_wait3A_255 = tpu.memref_slice %arg4[%add3A_207, %dma_wait3A_254] : memref<16384x1024xi32, #tpu.memory_space<hbm>> -> memref<16x1024xi32, #tpu.memory_space<hbm>>
      tpu.wait_dma2 semaphore(%dma_wait3A_249 : memref<!tpu.dma_semaphore, #tpu.memory_space<semaphore_mem>>) src(%dma_wait3A_255 : memref<16x1024xi32, #tpu.memory_space<hbm>>) dst(%dma_wait3A_253 : memref<16x1024xi32, #tpu.memory_space<vmem>>)
      %scan3A_256 = arith.constant 0 : i32
      %scan3A_257 = arith.constant 16 : i32
      %scan3A_258 = arith.addi %scan3A_256, %scan3A_257 : i32
      %scan3A_259 = arith.constant 1 : i32
      %scan3A_260:3 = scf.for %scan3A_262 = %scan3A_256 to %scan3A_258 step %scan3A_259 iter_args(%scan3A_263 = %scan3A_196#0, %scan3A_264 = %scan3A_196#1, %scan3A_265 = %scan3A_196#2) -> (vector<16xf32>, vector<16xi32>, vector<16xi32>)  : i32 {
        %scan3A_266 = arith.constant 0 : i32
        %scan3A_267 = arith.constant 16 : i32
        %scan3A_268 = arith.addi %scan3A_266, %scan3A_267 : i32
        %scan3A_269 = arith.constant 1 : i32
        %scan3A_270:3 = scf.for %scan3A_272 = %scan3A_266 to %scan3A_268 step %scan3A_269 iter_args(%scan3A_273 = %scan3A_263, %scan3A_274 = %scan3A_264, %scan3A_275 = %scan3A_265) -> (vector<16xf32>, vector<16xi32>, vector<16xi32>)  : i32 {
          %mul3A_276 = arith.constant 64 : i32
          %mul3A_277 = arith.muli %scan3A_272, %mul3A_276 : i32
          %add3A_278 = arith.constant 0 : i32
          %add3A_279 = arith.addi %mul3A_277, %add3A_278 : i32
          %get3A = arith.constant 1 : i32
          %get3A_280 = arith.index_cast %get3A : i32 to index
          %get3A_281 = arith.index_cast %scan3A_262 : i32 to index
          %get3A_282 = arith.index_cast %add3A_279 : i32 to index
          %get3A_283 = tpu.vector_load %arg6[%get3A_280, %get3A_281, %get3A_282] {strides = array<i32>} : memref<2x16x1024xf32, #tpu.memory_space<vmem>>, vector<1x1x16xf32>,
          %get3A_284 = vector.shape_cast %get3A_283 : vector<1x1x16xf32> to vector<16xf32>
          %get3A_285 = arith.constant 1 : i32
          %get3A_286 = arith.index_cast %get3A_285 : i32 to index
          %get3A_287 = arith.index_cast %scan3A_262 : i32 to index
          %get3A_288 = arith.index_cast %add3A_279 : i32 to index
          %get3A_289 = tpu.vector_load %arg7[%get3A_286, %get3A_287, %get3A_288] {strides = array<i32>} : memref<2x16x1024xi32, #tpu.memory_space<vmem>>, vector<1x1x16xi32>,
          %get3A_290 = vector.shape_cast %get3A_289 : vector<1x1x16xi32> to vector<16xi32>
          %get3A_291 = arith.constant 1 : i32
          %get3A_292 = arith.index_cast %get3A_291 : i32 to index
          %get3A_293 = arith.index_cast %scan3A_262 : i32 to index
          %get3A_294 = arith.index_cast %add3A_279 : i32 to index
          %get3A_295 = tpu.vector_load %arg8[%get3A_292, %get3A_293, %get3A_294] {strides = array<i32>} : memref<2x16x1024xi32, #tpu.memory_space<vmem>>, vector<1x1x16xi32>,
          %get3A_296 = vector.shape_cast %get3A_295 : vector<1x1x16xi32> to vector<16xi32>
          %gt3A = arith.constant 0 : i32
          %gt3A_297 = vector.broadcast %gt3A : i32 to vector<16xi32>
          %gt3A_298 = arith.cmpi sgt, %get3A_296, %gt3A_297 : vector<16xi32>
          %gt3A_299 = arith.constant 0 : i32
          %gt3A_300 = vector.broadcast %gt3A_299 : i32 to vector<16xi32>
          %gt3A_301 = arith.cmpi sgt, %get3A_290, %gt3A_300 : vector<16xi32>
          %sub3A_302 = arith.constant 1.000000e+00 : f32
          %sub3A_303 = vector.broadcast %sub3A_302 : f32 to vector<16xf32>
          %sub3A_304 = arith.subf %sub3A_303, %get3A_284 : vector<16xf32>
          %select_n3A = arith.select %gt3A_301, %get3A_284, %sub3A_304 : vector<16xi1>, vector<16xf32>
          %bitcast_convert_type3A = tpu.bitcast %select_n3A : vector<16xf32> -> vector<16xi32>
          %shift_right_logical3A = arith.constant 23 : i32
          %shift_right_logical3A_305 = vector.broadcast %shift_right_logical3A : i32 to vector<16xi32>
          %shift_right_logical3A_306 = arith.shrui %bitcast_convert_type3A, %shift_right_logical3A_305 : vector<16xi32>
          %and3A = arith.constant 8388607 : i32
          %and3A_307 = vector.broadcast %and3A : i32 to vector<16xi32>
          %and3A_308 = arith.andi %bitcast_convert_type3A, %and3A_307 : vector<16xi32>
          %or3A = arith.constant 1065353216 : i32
          %or3A_309 = vector.broadcast %or3A : i32 to vector<16xi32>
          %or3A_310 = arith.ori %and3A_308, %or3A_309 : vector<16xi32>
          %bitcast_convert_type3A_311 = tpu.bitcast %or3A_310 : vector<16xi32> -> vector<16xf32>
          %mul3A_312 = arith.constant 0.106684044 : f32
          %mul3A_313 = vector.broadcast %mul3A_312 : f32 to vector<16xf32>
          %mul3A_314 = arith.mulf %mul3A_313, %bitcast_convert_type3A_311 : vector<16xf32>
          %add3A_315 = arith.constant -7.135860e-01 : f32
          %add3A_316 = vector.broadcast %add3A_315 : f32 to vector<16xf32>
          %add3A_317 = arith.addf %mul3A_314, %add3A_316 : vector<16xf32>
          %mul3A_318 = arith.mulf %add3A_317, %bitcast_convert_type3A_311 : vector<16xf32>
          %add3A_319 = arith.constant 2.08687186 : f32
          %add3A_320 = vector.broadcast %add3A_319 : f32 to vector<16xf32>
          %add3A_321 = arith.addf %mul3A_318, %add3A_320 : vector<16xf32>
          %mul3A_322 = arith.mulf %add3A_321, %bitcast_convert_type3A_311 : vector<16xf32>
          %add3A_323 = arith.constant -1.47904456 : f32
          %add3A_324 = vector.broadcast %add3A_323 : f32 to vector<16xf32>
          %add3A_325 = arith.addf %mul3A_322, %add3A_324 : vector<16xf32>
          %jit3A = arith.constant 0.000000e+00 : f32
          %broadcast_in_dim3A_326 = vector.broadcast %jit3A : f32 to vector<16xf32>
          %select_n3A_327 = arith.select %gt3A_298, %add3A_325, %broadcast_in_dim3A_326 : vector<16xi1>, vector<16xf32>
          %jit3A_328 = arith.constant 0 : i32
          %broadcast_in_dim3A_329 = vector.broadcast %jit3A_328 : i32 to vector<16xi32>
          %select_n3A_330 = arith.select %gt3A_298, %shift_right_logical3A_306, %broadcast_in_dim3A_329 : vector<16xi1>, vector<16xi32>
          %add3A_331 = arith.addi %scan3A_274, %select_n3A_330 : vector<16xi32>
          %add3A_332 = arith.addi %scan3A_275, %get3A_296 : vector<16xi32>
          %mul3A_333 = arith.constant 64 : i32
          %mul3A_334 = arith.muli %scan3A_272, %mul3A_333 : i32
          %add3A_335 = arith.constant 16 : i32
          %add3A_336 = arith.addi %mul3A_334, %add3A_335 : i32
          %get3A_337 = arith.constant 1 : i32
          %get3A_338 = arith.index_cast %get3A_337 : i32 to index
          %get3A_339 = arith.index_cast %scan3A_262 : i32 to index
          %get3A_340 = arith.index_cast %add3A_336 : i32 to index
          %get3A_341 = tpu.vector_load %arg6[%get3A_338, %get3A_339, %get3A_340] {strides = array<i32>} : memref<2x16x1024xf32, #tpu.memory_space<vmem>>, vector<1x1x16xf32>,
          %get3A_342 = vector.shape_cast %get3A_341 : vector<1x1x16xf32> to vector<16xf32>
          %get3A_343 = arith.constant 1 : i32
          %get3A_344 = arith.index_cast %get3A_343 : i32 to index
          %get3A_345 = arith.index_cast %scan3A_262 : i32 to index
          %get3A_346 = arith.index_cast %add3A_336 : i32 to index
          %get3A_347 = tpu.vector_load %arg7[%get3A_344, %get3A_345, %get3A_346] {strides = array<i32>} : memref<2x16x1024xi32, #tpu.memory_space<vmem>>, vector<1x1x16xi32>,
          %get3A_348 = vector.shape_cast %get3A_347 : vector<1x1x16xi32> to vector<16xi32>
          %get3A_349 = arith.constant 1 : i32
          %get3A_350 = arith.index_cast %get3A_349 : i32 to index
          %get3A_351 = arith.index_cast %scan3A_262 : i32 to index
          %get3A_352 = arith.index_cast %add3A_336 : i32 to index
          %get3A_353 = tpu.vector_load %arg8[%get3A_350, %get3A_351, %get3A_352] {strides = array<i32>} : memref<2x16x1024xi32, #tpu.memory_space<vmem>>, vector<1x1x16xi32>,
          %get3A_354 = vector.shape_cast %get3A_353 : vector<1x1x16xi32> to vector<16xi32>
          %gt3A_355 = arith.constant 0 : i32
          %gt3A_356 = vector.broadcast %gt3A_355 : i32 to vector<16xi32>
          %gt3A_357 = arith.cmpi sgt, %get3A_354, %gt3A_356 : vector<16xi32>
          %gt3A_358 = arith.constant 0 : i32
          %gt3A_359 = vector.broadcast %gt3A_358 : i32 to vector<16xi32>
          %gt3A_360 = arith.cmpi sgt, %get3A_348, %gt3A_359 : vector<16xi32>
          %sub3A_361 = arith.constant 1.000000e+00 : f32
          %sub3A_362 = vector.broadcast %sub3A_361 : f32 to vector<16xf32>
          %sub3A_363 = arith.subf %sub3A_362, %get3A_342 : vector<16xf32>
          %select_n3A_364 = arith.select %gt3A_360, %get3A_342, %sub3A_363 : vector<16xi1>, vector<16xf32>
          %bitcast_convert_type3A_365 = tpu.bitcast %select_n3A_364 : vector<16xf32> -> vector<16xi32>
          %shift_right_logical3A_366 = arith.constant 23 : i32
          %shift_right_logical3A_367 = vector.broadcast %shift_right_logical3A_366 : i32 to vector<16xi32>
          %shift_right_logical3A_368 = arith.shrui %bitcast_convert_type3A_365, %shift_right_logical3A_367 : vector<16xi32>
          %and3A_369 = arith.constant 8388607 : i32
          %and3A_370 = vector.broadcast %and3A_369 : i32 to vector<16xi32>
          %and3A_371 = arith.andi %bitcast_convert_type3A_365, %and3A_370 : vector<16xi32>
          %or3A_372 = arith.constant 1065353216 : i32
          %or3A_373 = vector.broadcast %or3A_372 : i32 to vector<16xi32>
          %or3A_374 = arith.ori %and3A_371, %or3A_373 : vector<16xi32>
          %bitcast_convert_type3A_375 = tpu.bitcast %or3A_374 : vector<16xi32> -> vector<16xf32>
          %mul3A_376 = arith.constant 0.106684044 : f32
          %mul3A_377 = vector.broadcast %mul3A_376 : f32 to vector<16xf32>
          %mul3A_378 = arith.mulf %mul3A_377, %bitcast_convert_type3A_375 : vector<16xf32>
          %add3A_379 = arith.constant -7.135860e-01 : f32
          %add3A_380 = vector.broadcast %add3A_379 : f32 to vector<16xf32>
          %add3A_381 = arith.addf %mul3A_378, %add3A_380 : vector<16xf32>
          %mul3A_382 = arith.mulf %add3A_381, %bitcast_convert_type3A_375 : vector<16xf32>
          %add3A_383 = arith.constant 2.08687186 : f32
          %add3A_384 = vector.broadcast %add3A_383 : f32 to vector<16xf32>
          %add3A_385 = arith.addf %mul3A_382, %add3A_384 : vector<16xf32>
          %mul3A_386 = arith.mulf %add3A_385, %bitcast_convert_type3A_375 : vector<16xf32>
          %add3A_387 = arith.constant -1.47904456 : f32
          %add3A_388 = vector.broadcast %add3A_387 : f32 to vector<16xf32>
          %add3A_389 = arith.addf %mul3A_386, %add3A_388 : vector<16xf32>
          %jit3A_390 = arith.constant 0.000000e+00 : f32
          %broadcast_in_dim3A_391 = vector.broadcast %jit3A_390 : f32 to vector<16xf32>
          %select_n3A_392 = arith.select %gt3A_357, %add3A_389, %broadcast_in_dim3A_391 : vector<16xi1>, vector<16xf32>
          %jit3A_393 = arith.constant 0 : i32
          %broadcast_in_dim3A_394 = vector.broadcast %jit3A_393 : i32 to vector<16xi32>
          %select_n3A_395 = arith.select %gt3A_357, %shift_right_logical3A_368, %broadcast_in_dim3A_394 : vector<16xi1>, vector<16xi32>
          %add3A_396 = arith.addi %add3A_331, %select_n3A_395 : vector<16xi32>
          %add3A_397 = arith.addi %add3A_332, %get3A_354 : vector<16xi32>
          %mul3A_398 = arith.constant 64 : i32
          %mul3A_399 = arith.muli %scan3A_272, %mul3A_398 : i32
          %add3A_400 = arith.constant 32 : i32
          %add3A_401 = arith.addi %mul3A_399, %add3A_400 : i32
          %get3A_402 = arith.constant 1 : i32
          %get3A_403 = arith.index_cast %get3A_402 : i32 to index
          %get3A_404 = arith.index_cast %scan3A_262 : i32 to index
          %get3A_405 = arith.index_cast %add3A_401 : i32 to index
          %get3A_406 = tpu.vector_load %arg6[%get3A_403, %get3A_404, %get3A_405] {strides = array<i32>} : memref<2x16x1024xf32, #tpu.memory_space<vmem>>, vector<1x1x16xf32>,
          %get3A_407 = vector.shape_cast %get3A_406 : vector<1x1x16xf32> to vector<16xf32>
          %get3A_408 = arith.constant 1 : i32
          %get3A_409 = arith.index_cast %get3A_408 : i32 to index
          %get3A_410 = arith.index_cast %scan3A_262 : i32 to index
          %get3A_411 = arith.index_cast %add3A_401 : i32 to index
          %get3A_412 = tpu.vector_load %arg7[%get3A_409, %get3A_410, %get3A_411] {strides = array<i32>} : memref<2x16x1024xi32, #tpu.memory_space<vmem>>, vector<1x1x16xi32>,
          %get3A_413 = vector.shape_cast %get3A_412 : vector<1x1x16xi32> to vector<16xi32>
          %get3A_414 = arith.constant 1 : i32
          %get3A_415 = arith.index_cast %get3A_414 : i32 to index
          %get3A_416 = arith.index_cast %scan3A_262 : i32 to index
          %get3A_417 = arith.index_cast %add3A_401 : i32 to index
          %get3A_418 = tpu.vector_load %arg8[%get3A_415, %get3A_416, %get3A_417] {strides = array<i32>} : memref<2x16x1024xi32, #tpu.memory_space<vmem>>, vector<1x1x16xi32>,
          %get3A_419 = vector.shape_cast %get3A_418 : vector<1x1x16xi32> to vector<16xi32>
          %gt3A_420 = arith.constant 0 : i32
          %gt3A_421 = vector.broadcast %gt3A_420 : i32 to vector<16xi32>
          %gt3A_422 = arith.cmpi sgt, %get3A_419, %gt3A_421 : vector<16xi32>
          %gt3A_423 = arith.constant 0 : i32
          %gt3A_424 = vector.broadcast %gt3A_423 : i32 to vector<16xi32>
          %gt3A_425 = arith.cmpi sgt, %get3A_413, %gt3A_424 : vector<16xi32>
          %sub3A_426 = arith.constant 1.000000e+00 : f32
          %sub3A_427 = vector.broadcast %sub3A_426 : f32 to vector<16xf32>
          %sub3A_428 = arith.subf %sub3A_427, %get3A_407 : vector<16xf32>
          %select_n3A_429 = arith.select %gt3A_425, %get3A_407, %sub3A_428 : vector<16xi1>, vector<16xf32>
          %bitcast_convert_type3A_430 = tpu.bitcast %select_n3A_429 : vector<16xf32> -> vector<16xi32>
          %shift_right_logical3A_431 = arith.constant 23 : i32
          %shift_right_logical3A_432 = vector.broadcast %shift_right_logical3A_431 : i32 to vector<16xi32>
          %shift_right_logical3A_433 = arith.shrui %bitcast_convert_type3A_430, %shift_right_logical3A_432 : vector<16xi32>
          %and3A_434 = arith.constant 8388607 : i32
          %and3A_435 = vector.broadcast %and3A_434 : i32 to vector<16xi32>
          %and3A_436 = arith.andi %bitcast_convert_type3A_430, %and3A_435 : vector<16xi32>
          %or3A_437 = arith.constant 1065353216 : i32
          %or3A_438 = vector.broadcast %or3A_437 : i32 to vector<16xi32>
          %or3A_439 = arith.ori %and3A_436, %or3A_438 : vector<16xi32>
          %bitcast_convert_type3A_440 = tpu.bitcast %or3A_439 : vector<16xi32> -> vector<16xf32>
          %mul3A_441 = arith.constant 0.106684044 : f32
          %mul3A_442 = vector.broadcast %mul3A_441 : f32 to vector<16xf32>
          %mul3A_443 = arith.mulf %mul3A_442, %bitcast_convert_type3A_440 : vector<16xf32>
          %add3A_444 = arith.constant -7.135860e-01 : f32
          %add3A_445 = vector.broadcast %add3A_444 : f32 to vector<16xf32>
          %add3A_446 = arith.addf %mul3A_443, %add3A_445 : vector<16xf32>
          %mul3A_447 = arith.mulf %add3A_446, %bitcast_convert_type3A_440 : vector<16xf32>
          %add3A_448 = arith.constant 2.08687186 : f32
          %add3A_449 = vector.broadcast %add3A_448 : f32 to vector<16xf32>
          %add3A_450 = arith.addf %mul3A_447, %add3A_449 : vector<16xf32>
          %mul3A_451 = arith.mulf %add3A_450, %bitcast_convert_type3A_440 : vector<16xf32>
          %add3A_452 = arith.constant -1.47904456 : f32
          %add3A_453 = vector.broadcast %add3A_452 : f32 to vector<16xf32>
          %add3A_454 = arith.addf %mul3A_451, %add3A_453 : vector<16xf32>
          %jit3A_455 = arith.constant 0.000000e+00 : f32
          %broadcast_in_dim3A_456 = vector.broadcast %jit3A_455 : f32 to vector<16xf32>
          %select_n3A_457 = arith.select %gt3A_422, %add3A_454, %broadcast_in_dim3A_456 : vector<16xi1>, vector<16xf32>
          %jit3A_458 = arith.constant 0 : i32
          %broadcast_in_dim3A_459 = vector.broadcast %jit3A_458 : i32 to vector<16xi32>
          %select_n3A_460 = arith.select %gt3A_422, %shift_right_logical3A_433, %broadcast_in_dim3A_459 : vector<16xi1>, vector<16xi32>
          %add3A_461 = arith.addi %add3A_396, %select_n3A_460 : vector<16xi32>
          %add3A_462 = arith.addi %add3A_397, %get3A_419 : vector<16xi32>
          %mul3A_463 = arith.constant 64 : i32
          %mul3A_464 = arith.muli %scan3A_272, %mul3A_463 : i32
          %add3A_465 = arith.constant 48 : i32
          %add3A_466 = arith.addi %mul3A_464, %add3A_465 : i32
          %get3A_467 = arith.constant 1 : i32
          %get3A_468 = arith.index_cast %get3A_467 : i32 to index
          %get3A_469 = arith.index_cast %scan3A_262 : i32 to index
          %get3A_470 = arith.index_cast %add3A_466 : i32 to index
          %get3A_471 = tpu.vector_load %arg6[%get3A_468, %get3A_469, %get3A_470] {strides = array<i32>} : memref<2x16x1024xf32, #tpu.memory_space<vmem>>, vector<1x1x16xf32>,
          %get3A_472 = vector.shape_cast %get3A_471 : vector<1x1x16xf32> to vector<16xf32>
          %get3A_473 = arith.constant 1 : i32
          %get3A_474 = arith.index_cast %get3A_473 : i32 to index
          %get3A_475 = arith.index_cast %scan3A_262 : i32 to index
          %get3A_476 = arith.index_cast %add3A_466 : i32 to index
          %get3A_477 = tpu.vector_load %arg7[%get3A_474, %get3A_475, %get3A_476] {strides = array<i32>} : memref<2x16x1024xi32, #tpu.memory_space<vmem>>, vector<1x1x16xi32>,
          %get3A_478 = vector.shape_cast %get3A_477 : vector<1x1x16xi32> to vector<16xi32>
          %get3A_479 = arith.constant 1 : i32
          %get3A_480 = arith.index_cast %get3A_479 : i32 to index
          %get3A_481 = arith.index_cast %scan3A_262 : i32 to index
          %get3A_482 = arith.index_cast %add3A_466 : i32 to index
          %get3A_483 = tpu.vector_load %arg8[%get3A_480, %get3A_481, %get3A_482] {strides = array<i32>} : memref<2x16x1024xi32, #tpu.memory_space<vmem>>, vector<1x1x16xi32>,
          %get3A_484 = vector.shape_cast %get3A_483 : vector<1x1x16xi32> to vector<16xi32>
          %gt3A_485 = arith.constant 0 : i32
          %gt3A_486 = vector.broadcast %gt3A_485 : i32 to vector<16xi32>
          %gt3A_487 = arith.cmpi sgt, %get3A_484, %gt3A_486 : vector<16xi32>
          %gt3A_488 = arith.constant 0 : i32
          %gt3A_489 = vector.broadcast %gt3A_488 : i32 to vector<16xi32>
          %gt3A_490 = arith.cmpi sgt, %get3A_478, %gt3A_489 : vector<16xi32>
          %sub3A_491 = arith.constant 1.000000e+00 : f32
          %sub3A_492 = vector.broadcast %sub3A_491 : f32 to vector<16xf32>
          %sub3A_493 = arith.subf %sub3A_492, %get3A_472 : vector<16xf32>
          %select_n3A_494 = arith.select %gt3A_490, %get3A_472, %sub3A_493 : vector<16xi1>, vector<16xf32>
          %bitcast_convert_type3A_495 = tpu.bitcast %select_n3A_494 : vector<16xf32> -> vector<16xi32>
          %shift_right_logical3A_496 = arith.constant 23 : i32
          %shift_right_logical3A_497 = vector.broadcast %shift_right_logical3A_496 : i32 to vector<16xi32>
          %shift_right_logical3A_498 = arith.shrui %bitcast_convert_type3A_495, %shift_right_logical3A_497 : vector<16xi32>
          %and3A_499 = arith.constant 8388607 : i32
          %and3A_500 = vector.broadcast %and3A_499 : i32 to vector<16xi32>
          %and3A_501 = arith.andi %bitcast_convert_type3A_495, %and3A_500 : vector<16xi32>
          %or3A_502 = arith.constant 1065353216 : i32
          %or3A_503 = vector.broadcast %or3A_502 : i32 to vector<16xi32>
          %or3A_504 = arith.ori %and3A_501, %or3A_503 : vector<16xi32>
          %bitcast_convert_type3A_505 = tpu.bitcast %or3A_504 : vector<16xi32> -> vector<16xf32>
          %mul3A_506 = arith.constant 0.106684044 : f32
          %mul3A_507 = vector.broadcast %mul3A_506 : f32 to vector<16xf32>
          %mul3A_508 = arith.mulf %mul3A_507, %bitcast_convert_type3A_505 : vector<16xf32>
          %add3A_509 = arith.constant -7.135860e-01 : f32
          %add3A_510 = vector.broadcast %add3A_509 : f32 to vector<16xf32>
          %add3A_511 = arith.addf %mul3A_508, %add3A_510 : vector<16xf32>
          %mul3A_512 = arith.mulf %add3A_511, %bitcast_convert_type3A_505 : vector<16xf32>
          %add3A_513 = arith.constant 2.08687186 : f32
          %add3A_514 = vector.broadcast %add3A_513 : f32 to vector<16xf32>
          %add3A_515 = arith.addf %mul3A_512, %add3A_514 : vector<16xf32>
          %mul3A_516 = arith.mulf %add3A_515, %bitcast_convert_type3A_505 : vector<16xf32>
          %add3A_517 = arith.constant -1.47904456 : f32
          %add3A_518 = vector.broadcast %add3A_517 : f32 to vector<16xf32>
          %add3A_519 = arith.addf %mul3A_516, %add3A_518 : vector<16xf32>
          %jit3A_520 = arith.constant 0.000000e+00 : f32
          %broadcast_in_dim3A_521 = vector.broadcast %jit3A_520 : f32 to vector<16xf32>
          %select_n3A_522 = arith.select %gt3A_487, %add3A_519, %broadcast_in_dim3A_521 : vector<16xi1>, vector<16xf32>
          %jit3A_523 = arith.constant 0 : i32
          %broadcast_in_dim3A_524 = vector.broadcast %jit3A_523 : i32 to vector<16xi32>
          %select_n3A_525 = arith.select %gt3A_487, %shift_right_logical3A_498, %broadcast_in_dim3A_524 : vector<16xi1>, vector<16xi32>
          %add3A_526 = arith.addi %add3A_461, %select_n3A_525 : vector<16xi32>
          %add3A_527 = arith.addi %add3A_462, %get3A_484 : vector<16xi32>
          %add3A_528 = arith.addf %select_n3A_327, %select_n3A_392 : vector<16xf32>
          %add3A_529 = arith.addf %select_n3A_457, %select_n3A_522 : vector<16xf32>
          %add3A_530 = arith.addf %add3A_528, %add3A_529 : vector<16xf32>
          %add3A_531 = arith.addf %scan3A_273, %add3A_530 : vector<16xf32>
          scf.yield %add3A_531, %add3A_526, %add3A_527 : vector<16xf32>, vector<16xi32>, vector<16xi32>
        }
        %scan3A_271 = arith.constant 16 : i32
        scf.yield %scan3A_270#0, %scan3A_270#1, %scan3A_270#2 : vector<16xf32>, vector<16xi32>, vector<16xi32>
      }
      %scan3A_261 = arith.constant 16 : i32
      scf.yield %scan3A_260#0, %scan3A_260#1, %scan3A_260#2 : vector<16xf32>, vector<16xi32>, vector<16xi32>
    }
    %scan3A_61 = arith.constant 4 : i32
    %convert_element_type3A = arith.sitofp %scan3A_60#2 : vector<16xi32> to vector<16xf32>
    %convert_element_type3A_62 = arith.sitofp %scan3A_60#1 : vector<16xi32> to vector<16xf32>
    %mul3A_63 = arith.constant 1.270000e+02 : f32
    %mul3A_64 = vector.broadcast %mul3A_63 : f32 to vector<16xf32>
    %mul3A_65 = arith.mulf %mul3A_64, %convert_element_type3A : vector<16xf32>
    %sub3A = arith.subf %convert_element_type3A_62, %mul3A_65 : vector<16xf32>
    %mul3A_66 = arith.constant 0.693147182 : f32
    %mul3A_67 = vector.broadcast %mul3A_66 : f32 to vector<16xf32>
    %mul3A_68 = arith.mulf %mul3A_67, %sub3A : vector<16xf32>
    %add3A_69 = arith.addf %mul3A_68, %scan3A_60#0 : vector<16xf32>
    %neg3A = arith.constant 0.000000e+00 : f32
    %neg3A_70 = vector.broadcast %neg3A : f32 to vector<16xf32>
    %neg3A_71 = arith.subf %neg3A_70, %add3A_69 : vector<16xf32>
    %swap3A = arith.constant 0 : i32
    %swap3A_72 = arith.index_cast %swap3A : i32 to index
    %swap3A_73 = arith.constant 0 : index
    %swap3A_74 = tpu.vector_load %arg9[%swap3A_72, %swap3A_73] {strides = array<i32>} : memref<2x16xf32, #tpu.memory_space<vmem>>, vector<1x16xf32>,
    %swap3A_75 = vector.shape_cast %swap3A_74 : vector<1x16xf32> to vector<16xf32>
    %swap3A_76 = vector.shape_cast %neg3A_71 : vector<16xf32> to vector<1x16xf32>
    tpu.vector_store %arg9[%swap3A_72, %swap3A_73], %swap3A_76 {strides = array<i32>} : memref<2x16xf32, #tpu.memory_space<vmem>>, vector<1x16xf32>,
    %swap3A_77 = arith.constant 1 : i32
    %swap3A_78 = arith.index_cast %swap3A_77 : i32 to index
    %swap3A_79 = arith.constant 0 : index
    %swap3A_80 = tpu.vector_load %arg9[%swap3A_78, %swap3A_79] {strides = array<i32>} : memref<2x16xf32, #tpu.memory_space<vmem>>, vector<1x16xf32>,
    %swap3A_81 = vector.shape_cast %swap3A_80 : vector<1x16xf32> to vector<16xf32>
    %swap3A_82 = vector.shape_cast %convert_element_type3A : vector<16xf32> to vector<1x16xf32>
    tpu.vector_store %arg9[%swap3A_78, %swap3A_79], %swap3A_82 {strides = array<i32>} : memref<2x16xf32, #tpu.memory_space<vmem>>, vector<1x16xf32>,
    "tpu.region"() ({
      %run_scoped3A = tpu.sem_alloc : memref<!tpu.dma_semaphore, #tpu.memory_space<semaphore_mem>>
      %dma_start3A_83 = arith.constant 0 : i32
      %dma_start3A_84 = arith.constant 0 : i32
      %dma_start3A_85 = tpu.memref_slice %arg5[%add3A, %dma_start3A_83, %dma_start3A_84] : memref<32x2x16xf32, #tpu.memory_space<hbm>> -> memref<1x2x16xf32, #tpu.memory_space<hbm>>
      %dma_start3A_86 = tpu.memref_squeeze %dma_start3A_85 : memref<1x2x16xf32, #tpu.memory_space<hbm>> -> memref<2x16xf32, #tpu.memory_space<hbm>>
      %dma_start3A_87 = arith.constant 0 : i32
      %dma_start3A_88 = arith.constant 0 : i32
      %dma_start3A_89 = tpu.memref_slice %arg5[%add3A, %dma_start3A_87, %dma_start3A_88] : memref<32x2x16xf32, #tpu.memory_space<hbm>> -> memref<1x2x16xf32, #tpu.memory_space<hbm>>
      %dma_start3A_90 = tpu.memref_squeeze %dma_start3A_89 : memref<1x2x16xf32, #tpu.memory_space<hbm>> -> memref<2x16xf32, #tpu.memory_space<hbm>>
      tpu.enqueue_dma source(%arg9 : memref<2x16xf32, #tpu.memory_space<vmem>>) target(%dma_start3A_90 : memref<2x16xf32, #tpu.memory_space<hbm>>) target_semaphore(%run_scoped3A : memref<!tpu.dma_semaphore, #tpu.memory_space<semaphore_mem>>)
      %dma_wait3A = arith.constant 0 : i32
      %dma_wait3A_91 = arith.constant 0 : i32
      %dma_wait3A_92 = tpu.memref_slice %arg5[%add3A, %dma_wait3A, %dma_wait3A_91] : memref<32x2x16xf32, #tpu.memory_space<hbm>> -> memref<1x2x16xf32, #tpu.memory_space<hbm>>
      %dma_wait3A_93 = tpu.memref_squeeze %dma_wait3A_92 : memref<1x2x16xf32, #tpu.memory_space<hbm>> -> memref<2x16xf32, #tpu.memory_space<hbm>>
      %dma_wait3A_94 = arith.constant 0 : i32
      %dma_wait3A_95 = arith.constant 0 : i32
      %dma_wait3A_96 = tpu.memref_slice %arg5[%add3A, %dma_wait3A_94, %dma_wait3A_95] : memref<32x2x16xf32, #tpu.memory_space<hbm>> -> memref<1x2x16xf32, #tpu.memory_space<hbm>>
      %dma_wait3A_97 = tpu.memref_squeeze %dma_wait3A_96 : memref<1x2x16xf32, #tpu.memory_space<hbm>> -> memref<2x16xf32, #tpu.memory_space<hbm>>
      tpu.wait_dma2 semaphore(%run_scoped3A : memref<!tpu.dma_semaphore, #tpu.memory_space<semaphore_mem>>) src(%arg9 : memref<2x16xf32, #tpu.memory_space<vmem>>) dst(%dma_wait3A_97 : memref<2x16xf32, #tpu.memory_space<hbm>>)
      tpu.yield
    }) : () -> ()
    return
  }
}

</mosaic_0001>

<sc_bundles>
// kernel: kernel.3.cloned.1.call-start
scs
__scs_entry_jumppad:
0x0: {  	(pc) =	sbr.rel $0x88, $3  }
0x1: {  	(tag) =	ssettag $0x0;
	lr =	simm.s32 $0x1  }
0x2: {  	[smem:$0x3F9D] =	sst lr;
	_ =	strace $0xD0000000  }
0x3: {  	_ = 	snop  }
0x4: {  	_ = 	snop  }
0x5: {  	_ = 	snop  }
0x6: {  	_ = 	snop  }
0x7: {  	_ = 	snop  }
__scs_overlays_trampoline_lowered:
0x8: {  	[smem:$0x3FAC] =	sst s0  }
0x9: {  	[smem:$0x3FAD] =	sst s1  }
0xa: {  	[smem:$0x3FAE] =	sst s2  }
0xb: {  	[smem:$0x3FAF] =	sst s3  }
0xc: {  	[smem:$0x3FB0] =	sst s4  }
0xd: {  	[smem:$0x3FB1] =	sst s5  }
0xe: {  	[smem:$0x3FB2] =	sst s6  }
0xf: {  	[smem:$0x3FB3] =	sst s7  }
0x10: {  	[smem:$0x3FB4] =	sst s8  }
0x11: {  	[smem:$0x3FB5] =	sst s9;
	s0 =	simm.s32 @!p0 $0x0  }
0x12: {  	s1 =	sld [smem:$0x3F9B];
	s0 =	simm.s32 @p0 $0x1  }
0x13: {  	[smem:$0x3FB6] =	sst s0;
	s0 =	simm.s32 @!p1 $0x0  }
0x14: {  	s2 =	sld [smem:$0x3F9A];
	s0 =	simm.s32 @p1 $0x1  }
0x15: {  	[smem:$0x3FB7] =	sst s0;
	s0 =	simm.s32 @!p2 $0x0  }
0x16: {  	s3 =	sld [smem:$0x3FDB];
	s0 =	simm.s32 @p2 $0x1  }
0x17: {  	s4 =	simm.s32 $0x1BF5;
	[smem:$0x3FB9] =	sst s0  }
0x18: {  	s0 =	sld [smem:$0x3F9C];
	_ =	swait.ge [sflag:s4], $0x0  }
0x19: {  	s7 =	sld [smem:$0x3F9D]  }
0x1a: {  	s8 =	sadd.s32 $0xFFFFE003, lr  }
0x1b: {  	s9 =	sadd.s32 $0xFFFFFEF7, lr;
	s5 =	simm.s32 $0xFFFFFFFF;
	p2 =	slt.u32 s8, $0xFFFFF086  }
0x1c: {  	p1 =	slt.u32 s9, $0xF7A;
	s5 =	simm.s32 @!p2 $0x0  }
0x1d: {  	s5 =	simm.s32 @p1 $0x1;
	p0 =	seq.s32 s7, s2  }
0x1e: {  	s7 =	smul.u32 @!p0 $0xF7A, s2;
	p2 =	seq.s32 @!p0 s5, $0x0  }
0x1f: {  	s9 =	smul.u32 $0xF7A, s1;
	s8 =	simm.s32 @!p0 $0x1BF5;
	p2 =	por !p2, p0  }
0x20: {  	[sflag:s8] =	ssyncset.s32 @!p0 $0xFFFFF086;
	s6 =	sadd.s32 @!p0 s3, s7;
	s7 =	simm.s32 @!p0 $0x108  }
0x21: {  	s3 =	sadd.s32 s3, s9;
	s6 =	sadd.s32 @!p0 $0x88, s6;
	s7 =	simm.s32 @p2 $0x1082  }
0x22: {  	[simem:s7], [sflag:s8] =	dma.local @!p0 [hbm:s6], $0xF7A  }
0x23: {  	s9 =	sor.u32 $0xD0000000, s2;
	s6 =	simm.s32 $0x108;
	_ =	swait.ge @!p0 [sflag:s8], $0x0  }
0x24: {  	s3 =	sadd.s32 $0x88, s3;
	s6 =	simm.s32 @!p1 $0x1082;
	[sflag:s4] =	ssyncset.s32 $0xFFFFF086  }
0x25: {  	[simem:s6], [sflag:s4] =	dma.local [hbm:s3], $0xF7A  }
0x26: {  	[smem:$0x3F9D] =	sst s1;
	(tag) =	ssettag s2;
	_ =	strace s9  }
0x27: {  	s1 =	sld [smem:$0x3FAD]  }
0x28: {  	s2 =	sld [smem:$0x3FAE]  }
0x29: {  	s4 =	sld [smem:$0x3FB0]  }
0x2a: {  	p0 =	seq.s32 s5, $0x0;
	s5 =	sld [smem:$0x3FB1]  }
0x2b: {  	s6 =	sld [smem:$0x3FB2]  }
0x2c: {  	s7 =	sld [smem:$0x3FB3]  }
0x2d: {  	s3 =	simm.s32 $0x108;
	s8 =	sld [smem:$0x3FB4]  }
0x2e: {  	s3 =	simm.s32 @!p0 $0x1082;
	s9 =	sld [smem:$0x3FB5]  }
0x2f: {  	lr =	sadd.s32 s0, s3;
	s0 =	sld [smem:$0x3FAC]  }
0x30: {  	s3 =	sld [smem:$0x3FAF]  }
0x31: {  	[smem:$0x3FB8] =	sst s10  }
0x32: {  	s10 =	sld [smem:$0x3FB6];
	_ =	sdelay $0x3  }
0x33: {  	p0 =	seq.s32 s10, $0x1;
	s10 =	sld [smem:$0x3FB8];
	_ =	sdelay $0x3  }
0x34: {  	[smem:$0x3FB8] =	sst s10  }
0x35: {  	s10 =	sld [smem:$0x3FB7];
	_ =	sdelay $0x3  }
0x36: {  	p1 =	seq.s32 s10, $0x1;
	s10 =	sld [smem:$0x3FB8];
	_ =	sdelay $0x3  }
0x37: {  	[smem:$0x3FB8] =	sst s10  }
0x38: {  	s10 =	sld [smem:$0x3FB9]  }
0x39: {  	_ = 	snop;
	(pc) =	sbr.ind lr, $3  }
0x3a: {  	_ = 	snop  }
0x3b: {  	_ = 	snop  }
0x3c: {  	p2 =	seq.s32 s10, $0x1;
	s10 =	sld [smem:$0x3FB8]  }
0x3d: {  	_ =	shalt  }
0x3e: {  	_ =	shalt  }
0x3f: {  	_ =	shalt  }
0x40: {  	_ =	shalt  }
0x41: {  	_ =	shalt  }
0x42: {  	_ =	shalt  }
0x43: {  	_ =	shalt  }
0x44: {  	_ =	shalt  }
0x45: {  	_ =	shalt  }
0x46: {  	_ =	shalt  }
0x47: {  	_ =	shalt  }
0x48: {  	_ =	shalt  }
0x49: {  	_ =	shalt  }
0x4a: {  	_ =	shalt  }
0x4b: {  	_ =	shalt  }
0x4c: {  	_ =	shalt  }
0x4d: {  	_ =	shalt  }
0x4e: {  	_ =	shalt  }
0x4f: {  	_ =	shalt  }
0x50: {  	_ =	shalt  }
0x51: {  	_ =	shalt  }
0x52: {  	_ =	shalt  }
0x53: {  	_ =	shalt  }
0x54: {  	_ =	shalt  }
0x55: {  	_ =	shalt  }
0x56: {  	_ =	shalt  }
0x57: {  	_ =	shalt  }
0x58: {  	_ =	shalt  }
0x59: {  	_ =	shalt  }
0x5a: {  	_ =	shalt  }
0x5b: {  	_ =	shalt  }
0x5c: {  	_ =	shalt  }
0x5d: {  	_ =	shalt  }
0x5e: {  	_ =	shalt  }
0x5f: {  	_ =	shalt  }
0x60: {  	_ =	shalt  }
0x61: {  	_ =	shalt  }
0x62: {  	_ =	shalt  }
0x63: {  	_ =	shalt  }
0x64: {  	_ =	shalt  }
0x65: {  	_ =	shalt  }
0x66: {  	_ =	shalt  }
0x67: {  	_ =	shalt  }
0x68: {  	_ =	shalt  }
0x69: {  	_ =	shalt  }
0x6a: {  	_ =	shalt  }
0x6b: {  	_ =	shalt  }
0x6c: {  	_ =	shalt  }
0x6d: {  	_ =	shalt  }
0x6e: {  	_ =	shalt  }
0x6f: {  	_ =	shalt  }
0x70: {  	_ =	shalt  }
0x71: {  	_ =	shalt  }
0x72: {  	_ =	shalt  }
0x73: {  	_ =	shalt  }
0x74: {  	_ =	shalt  }
0x75: {  	_ =	shalt  }
0x76: {  	_ =	shalt  }
0x77: {  	_ =	shalt  }
0x78: {  	_ =	shalt  }
0x79: {  	_ =	shalt  }
0x7a: {  	_ =	shalt  }
0x7b: {  	_ =	shalt  }
0x7c: {  	_ =	shalt  }
0x7d: {  	_ =	shalt  }
0x7e: {  	_ =	shalt  }
0x7f: {  	_ =	shalt  }
0x80: {  	_ =	shalt  }
0x81: {  	_ =	shalt  }
0x82: {  	_ =	shalt  }
0x83: {  	_ =	shalt  }
0x84: {  	_ =	shalt  }
0x85: {  	_ =	shalt  }
0x86: {  	_ =	shalt  }
0x87: {  	_ =	shalt  }
.Lfunc_end0:
.L_simem_size_0:
called_computation_lowered:
.L_overlay_start_0:
0x88: {  	s2 =	sld [smem:$0x3FD9]  }
0x89: {  	s3 =	sld [smem:$0x3FFE];
	_ =	sdelay $0x1  }
0x8a: {  	s1 =	srdreg.scid  }
0x8b: {  	s0 =	sand.u32 $0x1, s1  }
0x8c: {  	s17 =	sshll.u32 s0, $0xA;
	s2 =	sadd.s32 s3, s2  }
0x8d: {  	s2 =	sadd.s32 s2, s17  }
0x8e: {  	[smem:$0x3FC4] =	sst s2  }
0x8f: {  	_ = 	snop  }
0x90: {  	s2 =	sld [smem:$0x3FC9]  }
0x91: {  	s18 =	sld [smem:$0x3FC8]  }
0x92: {  	s4 =	sld [smem:$0x3FC6];
	(tm) =	ssettm $0x1  }
0x93: {  	s5 =	sld [smem:$0x3FFB];
	_ =	sdelay $0x3  }
0x94: {  	_ =	strace s5  }
0x95: {  	s5 =	sld [smem:$0x3FFC];
	_ =	sdelay $0x3  }
0x96: {  	_ =	strace s5  }
0x97: {  	s5 =	sld [smem:$0x3FFD];
	_ =	sdelay $0x3  }
0x98: {  	_ =	strace s5  }
0x99: {  	_ =	strace $0x8FFFFFFF  }
0x9a: {  	s19 =	sld [smem:$0x3FDB];
	_ =	sdelay $0x1  }
0x9b: {  	s6 =	simm.s32 $_scs_section_size  }
0x9c: {  	s7 =	simm.s32 $_size__tile_overlayer_lowered;
	s8 =	simm.s32 $_tile_overlayer_lowered  }
0x9d: {  	s22 =	simm.s32 $0x1BFF;
	s21 =	sshll.u32 s8, $0x1;
	s5 =	sadd.s32 s6, s19  }
0x9e: {  	s9 =	simm.s32 $0x0;
	s20 =	sshll.u32 s7, $0x1;
	s7 =	sadd.s32 s21, s5  }
0x9f: {  	[timem:s9], [sflag:s22] =	dma.local [hbm:s7], s20  }
0xa0: {  	_ =	swait.ge [sflag:s22], s20  }
0xa1: {  	s6 =	ssub.s32 $0x0, s20;
	[sflag:s22] =	ssyncset.done $0x0  }
0xa2: {  	[sflag:s22] =	ssyncadd.s32 s6;
	_ =	sdelay $0x1  }
0xa3: {  	s23 =	simm.s32 $0x1B8B  }
0xa4: {  	_ =	swait.ge [sflag:s23], $0x1  }
0xa5: {  	[sflag:s23] =	ssyncset.done $0x0  }
0xa6: {  	s25 =	simm.s32 $0x1B8E;
	s24 =	sld [smem:$0x3FFE];
	[sflag:s23] =	ssyncadd.s32 $0xFFFFFFFF  }
0xa7: {  	s26 =	simm.s32 $execute0_lowered;
	[smem:$0x3FD2] =	sst s25  }
0xa8: {  	s7 =	sshll.u32 s26, $0x1;
	_ =	strace $0x80000046;
	[dreg:$0x1] =	wrdreg $0xFFFFFFFF  }
0xa9: {  	s28 =	simm.s32 $_size_execute0_lowered;
	s5 =	sadd.s32 s5, s7;
	[dreg:$0x0] =	wrdreg $0x0  }
0xaa: {  	s7 =	sshll.u32 s28, $0x1;
	[dreg:$0x2] =	wrdreg s5  }
0xab: {  	[dreg:$0x3] =	wrdreg s7  }
0xac: {  	[dreg:$0x4] =	wrdreg $0xC0  }
0xad: {  	_ =	task [dreg:s9], $0x5FFFF  }
0xae: {  	[dreg:$0x1] =	wrdreg $0xFFFFFFFF  }
0xaf: {  	[dreg:$0x0] =	wrdreg $0x60  }
0xb0: {  	[dreg:$0x2] =	wrdreg s2  }
0xb1: {  	[dreg:$0x3] =	wrdreg s18  }
0xb2: {  	[dreg:$0x4] =	wrdreg s4  }
0xb3: {  	[dreg:$0x5] =	wrdreg s24  }
0xb4: {  	[dreg:$0x6] =	wrdreg $0x9  }
0xb5: {  	_ =	task.clear_ibuf [dreg:s9], $0x7FFFF;
	_ =	strace $0x90000046  }
0xb6: {  	s29 =	simm.s32 $0x9;
	_ =	strace $0x80000048  }
0xb7: {  	_ =	swait.ge [sflag:s29], $0x1  }
0xb8: {  	[sflag:s29] =	ssyncadd.s32 $0xFFFFFFFF  }
0xb9: {  	_ =	strace $0x90000048  }
0xba: {  	_ =	sfence  }
0xbb: {  	s30 =	sld [smem:$0x0];
	_ =	sdelay $0x2  }
0xbc: {  	s31 =	sshll.u32 s1, $0xD;
	s1 =	sshrl.u32 s1, $0x2  }
0xbd: {  	s3 =	sand.u32 $0x4000, s31;
	s1 =	sadd.s32 s1, s30  }
0xbe: {  	s0 =	sor.u32 s3, s0;
	s1 =	sshll.u32 s1, $0x11  }
0xbf: {  	s0 =	sor.u32 s1, s0  }
0xc0: {  	s0 =	sadd.s32 $0x8F2B, s0  }
0xc1: {  	[sflag:s0] =	ssyncadd.remote.s32 $0x1  }
0xc2: {  	_ =	sfence.sel $0xFFFF  }
0xc3: {  	[dreg:$0x0] =	wrdreg $0xFFFFFFFF;
	(pc) =	sbr.abs _section_cstart, $3  }
0xc4: {  	[dreg:$0x1] =	wrdreg $0xFFFFFFFF  }
0xc5: {  	_ =	task.clear_ibuf [dreg:s9], $0x2FFFF;
	_ =	strace $0x9FFFFFFF  }
0xc6: {  	(tm) =	ssettm $0x7FFFFFFF  }
0xc7: {  	_ =	shalt  }
tec
execute0_lowered:
.L_overlay_start_1:
0x0: {  	(tag) =	ssettag $0x1  }
0x1: {  	s1 =	rddreg [dreg:$0x0]  }
0x2: {  	s3 =	rddreg [dreg:$0x1]  }
0x3: {  	s4 =	rddreg [dreg:$0x2]  }
0x4: {  	s0 =	rddreg [dreg:$0x3]  }
0x5: {  	s2 =	srdreg.scid;
	s5 =	stileid.u32  }
0x6: {  	s15 =	simm.s32 $0x4000;
	s16 =	simm.s32 $0xC000;
	s17 =	simm.s32 $0x14000  }
0x7: {  	s18 =	simm.s32 $0x1;
	s19 =	simm.s32 $0x3;
	s20 =	simm.s32 $0x5  }
0x8: {  	s21 =	simm.s32 $0x2;
	s2 =	sand.u32 $0x1, s2;
	s6 =	sshll.u32 s5, $0x1  }
0x9: {  	s22 =	simm.s32 $0x4;
	s7 =	ssub.s32 $0x2, s2;
	s2 =	sor.u32 s2, s6  }
0xa: {  	s23 =	simm.s32 $0x6;
	s5 =	simm.s32 $0x0;
	s12 =	sshll.u32 s2, $0xE  }
0xb: {  	[smem:$0x7FF] =	sst s5;
	s26 =	sshrl.u32 s7, $0x1;
	s28 =	sadd.s32 s1, s12  }
0xc: {  	_ =	strace $0x80000047;
	s29 =	sadd.s32 s3, s12;
	[dreg:$0x5] =	wrdreg s28  }
0xd: {  	s2 =	sshll.u32 s2, $0x5;
	s30 =	sadd.s32 s4, s12;
	[dreg:$0x6] =	wrdreg s29  }
0xe: {  	s6 =	ssub.s32 s7, s26;
	s0 =	sadd.s32 s0, s2;
	[dreg:$0x7] =	wrdreg s30  }
0xf: {  	s9 =	sor.u32 $0x1000, s12;
	[dreg:$0x8] =	wrdreg s0;
	s31 =	smax.u32 s6, $0x1  }
0x10: {  	s12 =	sor.u32 $0x800, s12;
	s26 =	simm.s32 $0x0;
	[dreg:$0x9] =	wrdreg s31  }
.LBB2_1:
0x11: {  	s0 =	rddreg [dreg:$0x5]  }
0x12: {  	[tilespmem:s5], [sflag:$0x1] =	stream.linear.gather [hbm4b:s0+s5], $0x4000, $0x38;
	[tilespmem:$0x18100] =	vst v63  }
0x13: {  	s29 =	rddreg [dreg:$0x6];
	s2 =	simm.s32 $0x8000  }
0x14: {  	[tilespmem:s2], [sflag:$0x3] =	stream.linear.gather [hbm4b:s29+s5], $0x4000, $0x38;
	[tilespmem:$0x18100] =	vst v63  }
0x15: {  	s30 =	rddreg [dreg:$0x7];
	s31 =	simm.s32 $0x10000;
	s28 =	simm.s32 $0x0  }
0x16: {  	v0 =	vimm.f32 $0.0e+00;
	v4 =	vimm.s32 $0x0;
	v1 =	vimm.s32 $0x0;
	[tilespmem:s31], [sflag:$0x5] =	stream.linear.gather [hbm4b:s30+s5], $0x4000, $0x38;
	[tilespmem:$0x18100] =	vst v63  }
.LBB2_2:
0x17: {  	s29 =	sshll.u32 s28, $0xC  }
0x18: {  	s0 =	sor.u32 s12, s29  }
0x19: {  	s30 =	simm.s32 $0x0;
	s2 =	sadd.s32 s1, s0  }
0x1a: {  	[tilespmem:s15], [sflag:$0x2] =	stream.linear.gather [hbm4b:s2+s30], $0x4000, $0x38;
	[tilespmem:$0x18100] =	vst v63  }
0x1b: {  	s25 =	sadd.s32 s3, s0  }
0x1c: {  	[tilespmem:s16], [sflag:$0x4] =	stream.linear.gather [hbm4b:s25+s30], $0x4000, $0x38;
	[tilespmem:$0x18100] =	vst v63  }
0x1d: {  	s0 =	sadd.s32 s4, s0  }
0x1e: {  	[tilespmem:s17], [sflag:$0x6] =	stream.linear.gather [hbm4b:s0+s30], $0x4000, $0x38;
	[tilespmem:$0x18100] =	vst v63  }
0x1f: {  	_ =	swait.ge [sflag:s18], $0x4000  }
0x20: {  	[sflag:s18] =	ssyncset.done $0x0  }
0x21: {  	[sflag:s18] =	ssyncadd.s32 $0xFFFFC000  }
0x22: {  	_ =	swait.ge [sflag:s19], $0x4000  }
0x23: {  	[sflag:s19] =	ssyncset.done $0x0  }
0x24: {  	[sflag:s19] =	ssyncadd.s32 $0xFFFFC000  }
0x25: {  	_ =	swait.ge [sflag:s20], $0x4000  }
0x26: {  	[sflag:s20] =	ssyncset.done $0x0  }
0x27: {  	s31 =	simm.s32 $0x0;
	[sflag:s20] =	ssyncadd.s32 $0xFFFFC000  }
.LBB2_3:
0x28: {  	s0 =	sshll.u32 s31, $0xA;
	s2 =	sshll.u32 s31, $0x7  }
0x29: {  	s0 =	sand.u32 $0x2000, s0;
	s2 =	sand.u32 $0x380, s2  }
0x2a: {  	s5 =	sand.u32 $0x40, s30;
	s0 =	sor.u32 s0, s2  }
0x2b: {  	s6 =	sand.u32 $0x1C00, s30;
	s2 =	sor.u32 s5, s0  }
0x2c: {  	s6 =	sor.u32 s6, s2  }
0x2d: {  	v2 =	vld [tilespmem:s6+$0x0]  }
0x2e: {  	s2 =	sor.u32 $0x10, s6;
	v3 =	vld [tilespmem:s6+$0x8000]  }
0x2f: {  	s13 =	sor.u32 $0x8010, s6;
	v5 =	vld [tilespmem:s2+$0x0]  }
0x30: {  	v6 =	vld [tilespmem:s13+$0x0];
	_ =	sdelay $0x1  }
0x31: {  	s7 =	sor.u32 $0x30, s6;
	v15 =	vld [tilespmem:s6+$0x10000]  }
0x32: {  	s8 =	sor.u32 $0x8030, s6;
	v8 =	vld [tilespmem:s7+$0x0];
	v7 =	vsub.f32 $1.000000000e+00, v2  }
0x33: {  	s10 =	sor.u32 $0x20, s6;
	vm0 =	vgt.s32 v3, $0x0;
	v3 =	vld [tilespmem:s8+$0x0];
	v9 =	vsub.f32 $1.000000000e+00, v5  }
0x34: {  	s11 =	sor.u32 $0x8020, s6;
	v10 =	vld [tilespmem:s10+$0x0];
	v2 =	vsel vm0, v2, v7;
	vm0 =	vgt.s32 v6, $0x0  }
0x35: {  	s14 =	sor.u32 $0x10010, s6;
	v6 =	vld [tilespmem:s11+$0x0];
	v7 =	vand.u32 $0x7FFFFF, v2;
	v5 =	vsel vm0, v5, v9  }
0x36: {  	v16 =	vld [tilespmem:s14+$0x0];
	vm1 =	vgt.s32 v15, $0x0;
	v7 =	vor.u32 $0x3F800000, v7;
	v9 =	vand.u32 $0x7FFFFF, v5  }
0x37: {  	v12 =	vsub.f32 $1.000000000e+00, v8;
	v11 =	vmul.f32 $1.066840440e-01, v7;
	v9 =	vor.u32 $0x3F800000, v9  }
0x38: {  	v4 =	vadd.s32 v4, v15;
	vm0 =	vgt.s32 v3, $0x0;
	v3 =	vmul.f32 $1.066840440e-01, v9  }
0x39: {  	v13 =	vsub.f32 $1.000000000e+00, v10;
	v8 =	vsel vm0, v8, v12;
	v11 =	vadd.f32 $-7.135859730e-01, v11  }
0x3a: {  	vm0 =	vgt.s32 v6, $0x0;
	v6 =	vand.u32 $0x7FFFFF, v8;
	v3 =	vadd.f32 $-7.135859730e-01, v3  }
0x3b: {  	vm2 =	vgt.s32 v16, $0x0;
	v10 =	vsel vm0, v10, v13;
	v6 =	vor.u32 $0x3F800000, v6  }
0x3c: {  	v11 =	vmul.f32 v7, v11;
	v13 =	vand.u32 $0x7FFFFF, v10;
	v3 =	vmul.f32 v9, v3  }
0x3d: {  	v2 =	vshrl.u32 v2, $0x17;
	v14 =	vmul.f32 $1.066840440e-01, v6;
	v13 =	vor.u32 $0x3F800000, v13  }
0x3e: {  	v11 =	vadd.f32 $2.086871860e+00, v11;
	v17 =	vmul.f32 $1.066840440e-01, v13;
	v3 =	vadd.f32 $2.086871860e+00, v3  }
0x3f: {  	s24 =	simm.s32 $0x40;
	s13 =	sor.u32 $0x10020, s6;
	v5 =	vshrl.u32 v5, $0x17;
	v2 =	vnsel vm1, $0x0, v2;
	v14 =	vadd.f32 $-7.135859730e-01, v14  }
0x40: {  	s25 =	sand.u32 $0x40, s24;
	s2 =	simm.s32 $0x200;
	s6 =	sor.u32 $0x10030, s6;
	v12 =	vld [tilespmem:s13+$0x0];
	v7 =	vmul.f32 v7, v11;
	v3 =	vmul.f32 v9, v3;
	v9 =	vadd.f32 $-7.135859730e-01, v17  }
0x41: {  	s14 =	sand.u32 $0x1C00, s2;
	v1 =	vadd.s32 v1, v2;
	v2 =	vnsel vm2, $0x0, v5;
	s13 =	sor.u32 s25, s0;
	v11 =	vmul.f32 v6, v14;
	v14 =	vld [tilespmem:s6+$0x0]  }
0x42: {  	s5 =	sor.u32 s14, s13;
	v7 =	vadd.f32 $-1.479044560e+00, v7;
	v3 =	vadd.f32 $-1.479044560e+00, v3;
	v9 =	vmul.f32 v13, v9  }
0x43: {  	v4 =	vadd.s32 v16, v4;
	v1 =	vadd.s32 v2, v1;
	v8 =	vshrl.u32 v8, $0x17;
	v15 =	vld [tilespmem:s5+$0x0]  }
0x44: {  	s13 =	sor.u32 $0x8010, s5;
	v17 =	vld [tilespmem:s5+$0x8000];
	v7 =	vnsel vm1, $0x0, v7;
	v3 =	vnsel vm2, $0x0, v3;
	v9 =	vadd.f32 $2.086871860e+00, v9  }
0x45: {  	s14 =	sor.u32 $0x10, s5;
	v10 =	vshrl.u32 v10, $0x17;
	vm0 =	vgt.s32 v12, $0x0;
	v16 =	vadd.f32 v3, v7;
	v3 =	vld [tilespmem:s13+$0x0]  }
0x46: {  	s10 =	sor.u32 $0x30, s5;
	v2 =	vnsel vm0, $0x0, v10;
	vm1 =	vgt.s32 v14, $0x0;
	v7 =	vld [tilespmem:s14+$0x0];
	v5 =	vmul.f32 v13, v9  }
0x47: {  	s8 =	sor.u32 $0x8020, s5;
	v1 =	vadd.s32 v2, v1;
	v2 =	vnsel vm1, $0x0, v8;
	v8 =	vld [tilespmem:s10+$0x0]  }
0x48: {  	s7 =	sor.u32 $0x20, s5;
	v13 =	vld [tilespmem:s8+$0x0];
	v10 =	vadd.f32 $-1.479044560e+00, v5;
	v5 =	vsub.f32 $1.000000000e+00, v15  }
0x49: {  	s11 =	sor.u32 $0x8030, s5;
	v4 =	vadd.s32 v12, v4;
	vm2 =	vgt.s32 v17, $0x0;
	v9 =	vld [tilespmem:s7+$0x0]  }
0x4a: {  	v1 =	vadd.s32 v2, v1;
	v2 =	vadd.s32 v14, v4;
	v4 =	vld [tilespmem:s11+$0x0];
	v5 =	vsel vm2, v15, v5  }
0x4b: {  	vm2 =	vgt.s32 v3, $0x0;
	v12 =	vsub.f32 $1.000000000e+00, v7;
	v3 =	vand.u32 $0x7FFFFF, v5  }
0x4c: {  	v11 =	vadd.f32 $2.086871860e+00, v11;
	v15 =	vnsel vm0, $0x0, v10;
	v14 =	vor.u32 $0x3F800000, v3  }
0x4d: {  	vm0 =	vgt.s32 v13, $0x0;
	v7 =	vsel vm2, v7, v12;
	v10 =	vmul.f32 $1.066840440e-01, v14  }
0x4e: {  	v13 =	vsub.f32 $1.000000000e+00, v8;
	v3 =	vsub.f32 $1.000000000e+00, v9;
	v12 =	vand.u32 $0x7FFFFF, v7  }
0x4f: {  	vm2 =	vgt.s32 v4, $0x0;
	v17 =	vor.u32 $0x3F800000, v12;
	v10 =	vadd.f32 $-7.135859730e-01, v10  }
0x50: {  	v6 =	vmul.f32 v6, v11;
	v18 =	vsel vm2, v8, v13;
	v4 =	vmul.f32 $1.066840440e-01, v17  }
0x51: {  	s24 =	sor.u32 $0x10020, s5;
	v9 =	vsel vm0, v9, v3;
	v3 =	vand.u32 $0x7FFFFF, v18;
	v8 =	vmul.f32 v14, v10  }
0x52: {  	v6 =	vadd.f32 $-1.479044560e+00, v6;
	v3 =	vor.u32 $0x3F800000, v3;
	v10 =	vadd.f32 $-7.135859730e-01, v4;
	v4 =	vld [tilespmem:s24+$0x0]  }
0x53: {  	v11 =	vand.u32 $0x7FFFFF, v9;
	v12 =	vmul.f32 $1.066840440e-01, v3;
	v8 =	vadd.f32 $2.086871860e+00, v8  }
0x54: {  	v6 =	vnsel vm1, $0x0, v6;
	v19 =	vmul.f32 v17, v10;
	v10 =	vor.u32 $0x3F800000, v11  }
0x55: {  	v11 =	vadd.f32 $-7.135859730e-01, v12;
	v20 =	vmul.f32 $1.066840440e-01, v10;
	v13 =	vmul.f32 v14, v8  }
0x56: {  	s25 =	sor.u32 $0x10010, s5;
	v12 =	vld [tilespmem:s5+$0x10000];
	v14 =	vadd.f32 v6, v15;
	v19 =	vadd.f32 $2.086871860e+00, v19;
	v8 =	vshrl.u32 v9, $0x17  }
0x57: {  	v6 =	vshrl.u32 v18, $0x17;
	v9 =	vmul.f32 v3, v11;
	v11 =	vld [tilespmem:s25+$0x0];
	vm0 =	vgt.s32 v4, $0x0  }
0x58: {  	s14 =	sor.u32 $0x10030, s5;
	s24 =	simm.s32 $0x80;
	v15 =	vadd.f32 v14, v16;
	v14 =	vmul.f32 v17, v19;
	v16 =	vadd.f32 $-7.135859730e-01, v20  }
.LBB2_4:
0x59: {  	s13 =	smov.u32 s24  }
0x5a: {  	s6 =	sand.u32 $0x40, s24;
	v5 =	vshrl.u32 v5, $0x17;
	v7 =	vshrl.u32 v7, $0x17;
	s2 =	sadd.s32 $0x200, s2;
	v0 =	vadd.f32 v15, v0;
	s13 =	sadd.s32 $0x40, s24  }
0x5b: {  	p0 =	sne.s32 s24, $0x3C0;
	v13 =	vadd.f32 $-1.479044560e+00, v13;
	s7 =	sand.u32 $0x1C00, s2;
	s6 =	sor.u32 s6, s0;
	v14 =	vadd.f32 $-1.479044560e+00, v14;
	v15 =	vmul.f32 v10, v16;
	v16 =	vld [tilespmem:s14+$0x0]  }
0x5c: {  	vm1 =	vgt.s32 v12, $0x0;
	v2 =	vadd.s32 v2, v12;
	s24 =	sor.u32 s7, s6;
	vm2 =	vgt.s32 v11, $0x0  }
0x5d: {  	v13 =	vnsel vm1, $0x0, v13;
	s7 =	sor.u32 $0x10, s24;
	s14 =	sor.u32 $0x8010, s24;
	s8 =	sor.u32 $0x20, s24;
	v14 =	vnsel vm2, $0x0, v14;
	v15 =	vadd.f32 $2.086871860e+00, v15;
	v12 =	vld [tilespmem:s24+$0x0]  }
0x5e: {  	v5 =	vnsel vm1, $0x0, v5;
	v2 =	vadd.s32 v11, v2;
	s6 =	sor.u32 $0x10010, s24;
	s10 =	sor.u32 $0x8020, s24;
	s11 =	sor.u32 $0x30, s24;
	v14 =	vadd.f32 v14, v13;
	v17 =	vld [tilespmem:s24+$0x8000]  }
0x5f: {  	s25 =	sor.u32 $0x10020, s24;
	s5 =	sor.u32 $0x8030, s24;
	v1 =	vadd.s32 v1, v5;
	v5 =	vnsel vm2, $0x0, v7;
	v7 =	vmul.f32 v10, v15;
	v11 =	vld [tilespmem:s14+$0x0];
	s14 =	sor.u32 $0x10030, s24  }
0x60: {  	v1 =	vadd.s32 v5, v1;
	v5 =	vnsel vm0, $0x0, v8;
	v10 =	vld [tilespmem:s7+$0x0];
	vm1 =	vgt.s32 v16, $0x0  }
0x61: {  	v1 =	vadd.s32 v5, v1;
	v7 =	vadd.f32 $-1.479044560e+00, v7;
	v8 =	vld [tilespmem:s8+$0x0];
	v5 =	vnsel vm1, $0x0, v6  }
0x62: {  	v2 =	vadd.s32 v4, v2;
	v6 =	vsub.f32 $1.000000000e+00, v12;
	v13 =	vld [tilespmem:s10+$0x0];
	v1 =	vadd.s32 v5, v1  }
0x63: {  	v2 =	vadd.s32 v16, v2;
	vm2 =	vgt.s32 v17, $0x0;
	v4 =	vld [tilespmem:s11+$0x0]  }
0x64: {  	v5 =	vsel vm2, v12, v6;
	vm2 =	vgt.s32 v11, $0x0;
	v6 =	vld [tilespmem:s5+$0x0]  }
0x65: {  	v11 =	vand.u32 $0x7FFFFF, v5;
	v12 =	vsub.f32 $1.000000000e+00, v10  }
0x66: {  	v16 =	vnsel vm0, $0x0, v7;
	v11 =	vor.u32 $0x3F800000, v11;
	v15 =	vsub.f32 $1.000000000e+00, v8  }
0x67: {  	v17 =	vmul.f32 $1.066840440e-01, v11;
	v7 =	vsel vm2, v10, v12;
	vm0 =	vgt.s32 v13, $0x0  }
0x68: {  	v9 =	vadd.f32 $2.086871860e+00, v9;
	v10 =	vand.u32 $0x7FFFFF, v7;
	v12 =	vsub.f32 $1.000000000e+00, v4  }
0x69: {  	v13 =	vadd.f32 $-7.135859730e-01, v17;
	v17 =	vor.u32 $0x3F800000, v10;
	vm2 =	vgt.s32 v6, $0x0  }
0x6a: {  	v6 =	vmul.f32 $1.066840440e-01, v17;
	v18 =	vsel vm2, v4, v12;
	v4 =	vmul.f32 v3, v9  }
0x6b: {  	v8 =	vsel vm0, v8, v15;
	v9 =	vmul.f32 v11, v13;
	v3 =	vand.u32 $0x7FFFFF, v18  }
0x6c: {  	v6 =	vadd.f32 $-7.135859730e-01, v6;
	v3 =	vor.u32 $0x3F800000, v3;
	v12 =	vadd.f32 $-1.479044560e+00, v4  }
0x6d: {  	v10 =	vand.u32 $0x7FFFFF, v8;
	v9 =	vadd.f32 $2.086871860e+00, v9;
	v4 =	vld [tilespmem:s25+$0x0];
	v15 =	vmul.f32 $1.066840440e-01, v3  }
.Ltmp0:
0x6e: {  	v10 =	vor.u32 $0x3F800000, v10;
	v6 =	vmul.f32 v17, v6;
	v19 =	vnsel vm1, $0x0, v12;
	(pc) =	sbr.rel @p0 .LBB2_4-.Ltmp0, $4  }
0x6f: {  	v12 =	vld [tilespmem:s24+$0x10000];
	v13 =	vmul.f32 v11, v9;
	v9 =	vadd.f32 $-7.135859730e-01, v15;
	v15 =	vadd.f32 v19, v16  }
0x70: {  	v8 =	vshrl.u32 v8, $0x17;
	v19 =	vmul.f32 $1.066840440e-01, v10;
	v11 =	vld [tilespmem:s6+$0x0];
	v16 =	vadd.f32 $2.086871860e+00, v6  }
0x71: {  	v6 =	vshrl.u32 v18, $0x17;
	v9 =	vmul.f32 v3, v9;
	v15 =	vadd.f32 v15, v14  }
0x72: {  	s24 =	smov.u32 s13;
	v14 =	vmul.f32 v17, v16;
	vm0 =	vgt.s32 v4, $0x0;
	v16 =	vadd.f32 $-7.135859730e-01, v19  }
0x73: {  	_ = 	snop  }
0x74: {  	v16 =	vmul.f32 v10, v16;
	_ =	sdelay $0x1  }
0x75: {  	v17 =	vld [tilespmem:s14+$0x0];
	v9 =	vadd.f32 $2.086871860e+00, v9;
	v16 =	vadd.f32 $2.086871860e+00, v16  }
0x76: {  	v0 =	vadd.f32 v15, v0;
	v5 =	vshrl.u32 v5, $0x17  }
0x77: {  	v7 =	vshrl.u32 v7, $0x17;
	v3 =	vmul.f32 v3, v9;
	v61 =	vmul.f32 v10, v16  }
0x78: {  	v62 =	vadd.f32 $-1.479044560e+00, v13;
	v63 =	vadd.f32 $-1.479044560e+00, v14;
	vm1 =	vgt.s32 v12, $0x0  }
0x79: {  	v2 =	vadd.s32 v2, v12;
	v3 =	vadd.f32 $-1.479044560e+00, v3;
	v10 =	vadd.f32 $-1.479044560e+00, v61  }
0x7a: {  	s31 =	sadd.s32 $0x1, s31;
	vm2 =	vgt.s32 v11, $0x0;
	v9 =	vnsel vm1, $0x0, v62;
	vm15 =	vgt.s32 v17, $0x0  }
0x7b: {  	p0 =	sne.s32 s31, $0x10;
	v13 =	vnsel vm2, $0x0, v63;
	v3 =	vnsel vm15, $0x0, v3;
	v10 =	vnsel vm0, $0x0, v10  }
.Ltmp1:
0x7c: {  	v5 =	vnsel vm1, $0x0, v5;
	v9 =	vadd.f32 v13, v9;
	v3 =	vadd.f32 v3, v10;
	(pc) =	sbr.rel @p0 .LBB2_3-.Ltmp1, $4  }
0x7d: {  	v2 =	vadd.s32 v11, v2;
	v1 =	vadd.s32 v1, v5;
	v5 =	vnsel vm2, $0x0, v7  }
0x7e: {  	v1 =	vadd.s32 v5, v1;
	v5 =	vnsel vm0, $0x0, v8;
	v3 =	vadd.f32 v3, v9  }
0x7f: {  	v2 =	vadd.s32 v4, v2;
	v1 =	vadd.s32 v5, v1;
	v5 =	vnsel vm15, $0x0, v6  }
0x80: {  	v4 =	vadd.s32 v17, v2;
	v1 =	vadd.s32 v5, v1;
	v0 =	vadd.f32 v3, v0  }
0x81: {  	p0 =	seq.s32 s28, $0x3  }
0x82: {  	s0 =	sadd.s32 @!p0 s29, s9  }
0x83: {  	s5 =	simm.s32 @!p0 $0x0;
	s2 =	sadd.s32 @!p0 s1, s0  }
0x84: {  	[tilespmem:s5], [sflag:$0x1] =	stream.linear.gather @!p0 [hbm4b:s2+s5], $0x4000, $0x38;
	[tilespmem:$0x18100] =	vst v63  }
0x85: {  	s6 =	simm.s32 @!p0 $0x8000;
	s2 =	sadd.s32 @!p0 s3, s0  }
0x86: {  	[tilespmem:s6], [sflag:$0x3] =	stream.linear.gather @!p0 [hbm4b:s2+s5], $0x4000, $0x38;
	[tilespmem:$0x18100] =	vst v63  }
0x87: {  	s0 =	sadd.s32 @!p0 s4, s0;
	s2 =	simm.s32 @!p0 $0x10000  }
0x88: {  	[tilespmem:s2], [sflag:$0x5] =	stream.linear.gather @!p0 [hbm4b:s0+s5], $0x4000, $0x38;
	[tilespmem:$0x18100] =	vst v63  }
0x89: {  	_ =	swait.ge [sflag:s21], $0x4000  }
0x8a: {  	[sflag:s21] =	ssyncset.done $0x0  }
0x8b: {  	[sflag:s21] =	ssyncadd.s32 $0xFFFFC000  }
0x8c: {  	_ =	swait.ge [sflag:s22], $0x4000  }
0x8d: {  	[sflag:s22] =	ssyncset.done $0x0  }
0x8e: {  	[sflag:s22] =	ssyncadd.s32 $0xFFFFC000  }
0x8f: {  	_ =	swait.ge [sflag:s23], $0x4000  }
0x90: {  	[sflag:s23] =	ssyncset.done $0x0  }
0x91: {  	s29 =	simm.s32 $0x0;
	s0 =	simm.s32 $0x0;
	[sflag:s23] =	ssyncadd.s32 $0xFFFFC000  }
.LBB2_7:
0x92: {  	s2 =	sshll.u32 s29, $0xA;
	s5 =	sshll.u32 s29, $0x7  }
0x93: {  	s2 =	sand.u32 $0x2000, s2;
	s5 =	sand.u32 $0x380, s5  }
0x94: {  	s10 =	sand.u32 $0x40, s0;
	s2 =	sor.u32 s5, s2  }
0x95: {  	s6 =	sand.u32 $0x1C00, s0;
	s5 =	sor.u32 s10, s2  }
0x96: {  	s5 =	sor.u32 s6, s5  }
0x97: {  	v5 =	vld [tilespmem:s5+$0x14000]  }
0x98: {  	v6 =	vld [tilespmem:s5+$0x4000]  }
0x99: {  	s6 =	sor.u32 $0x14020, s5;
	v7 =	vld [tilespmem:s5+$0xC000]  }
0x9a: {  	s11 =	sor.u32 $0x14030, s5;
	v3 =	vld [tilespmem:s6+$0x0]  }
0x9b: {  	s13 =	sor.u32 $0xC020, s5;
	v2 =	vld [tilespmem:s11+$0x0]  }
0x9c: {  	s7 =	sor.u32 $0xC030, s5;
	v8 =	vld [tilespmem:s13+$0x0]  }
0x9d: {  	s14 =	sor.u32 $0x4020, s5;
	v9 =	vld [tilespmem:s7+$0x0]  }
0x9e: {  	s24 =	sor.u32 $0x4010, s5;
	v10 =	vld [tilespmem:s14+$0x0]  }
0x9f: {  	s25 =	sor.u32 $0x4030, s5;
	v12 =	vld [tilespmem:s24+$0x0];
	v11 =	vsub.f32 $1.000000000e+00, v6  }
0xa0: {  	s31 =	sor.u32 $0xC010, s5;
	vm0 =	vgt.s32 v7, $0x0;
	v7 =	vld [tilespmem:s25+$0x0]  }
0xa1: {  	v6 =	vsel vm0, v6, v11;
	v11 =	vld [tilespmem:s31+$0x0]  }
0xa2: {  	vm1 =	vgt.s32 v5, $0x0;
	v4 =	vadd.s32 v4, v5;
	vm2 =	vgt.s32 v3, $0x0  }
0xa3: {  	vm3 =	vgt.s32 v8, $0x0;
	v8 =	vsub.f32 $1.000000000e+00, v10;
	v13 =	vand.u32 $0x7FFFFF, v6  }
0xa4: {  	vm4 =	vgt.s32 v9, $0x0;
	v9 =	vsub.f32 $1.000000000e+00, v12;
	v5 =	vor.u32 $0x3F800000, v13  }
0xa5: {  	vm0 =	vgt.s32 v2, $0x0;
	v6 =	vshrl.u32 v6, $0x17;
	v13 =	vmul.f32 $1.066840440e-01, v5  }
0xa6: {  	v8 =	vsel vm3, v10, v8;
	v14 =	vsub.f32 $1.000000000e+00, v7;
	vm5 =	vgt.s32 v11, $0x0  }
0xa7: {  	v6 =	vnsel vm1, $0x0, v6;
	v13 =	vadd.f32 $-7.135859730e-01, v13;
	v12 =	vsel vm5, v12, v9  }
0xa8: {  	v17 =	vsel vm4, v7, v14;
	v9 =	vand.u32 $0x7FFFFF, v8;
	v10 =	vand.u32 $0x7FFFFF, v12  }
0xa9: {  	s5 =	sor.u32 $0x14010, s5;
	v9 =	vor.u32 $0x3F800000, v9;
	v15 =	vmul.f32 v5, v13;
	v13 =	vshrl.u32 v8, $0x17  }
0xaa: {  	v11 =	vld [tilespmem:s5+$0x0];
	v7 =	vor.u32 $0x3F800000, v10;
	v10 =	vand.u32 $0x7FFFFF, v17;
	v16 =	vmul.f32 $1.066840440e-01, v9  }
0xab: {  	s30 =	simm.s32 $0x0;
	s6 =	simm.s32 $0x40;
	v8 =	vshrl.u32 v17, $0x17;
	v14 =	vmul.f32 $1.066840440e-01, v7;
	v10 =	vor.u32 $0x3F800000, v10  }
.LBB2_8:
0xac: {  	s5 =	sand.u32 $0x40, s6;
	v16 =	vadd.f32 $-7.135859730e-01, v16  }
0xad: {  	v13 =	vnsel vm2, $0x0, v13;
	v17 =	vmul.f32 $1.066840440e-01, v10;
	s30 =	sadd.s32 $0x200, s30;
	vm3 =	vmmov vm2;
	s7 =	smov.u32 s6;
	s31 =	sadd.s32 $0x40, s6  }
0xae: {  	v12 =	vshrl.u32 v12, $0x17;
	v14 =	vadd.f32 $-7.135859730e-01, v14;
	s7 =	sand.u32 $0x1C00, s30;
	s5 =	sor.u32 s5, s2;
	v15 =	vadd.f32 $2.086871860e+00, v15  }
0xaf: {  	p0 =	sne.s32 s6, $0x3C0;
	s5 =	sor.u32 s7, s5;
	vm4 =	vgt.s32 v11, $0x0;
	v16 =	vmul.f32 v9, v16;
	v17 =	vadd.f32 $-7.135859730e-01, v17  }
0xb0: {  	v1 =	vadd.s32 v1, v6;
	v6 =	vmul.f32 v7, v14;
	v4 =	vadd.s32 v11, v4;
	v18 =	vld [tilespmem:s5+$0x14000];
	s7 =	sor.u32 $0x4020, s5;
	s8 =	sor.u32 $0xC020, s5;
	s6 =	sor.u32 $0x14020, s5  }
0xb1: {  	s10 =	sor.u32 $0xC010, s5;
	s11 =	sor.u32 $0x4030, s5;
	s13 =	sor.u32 $0x14030, s5;
	v12 =	vnsel vm4, $0x0, v12;
	v11 =	vld [tilespmem:s6+$0x0];
	v14 =	vadd.f32 $2.086871860e+00, v16;
	v16 =	vmul.f32 v10, v17  }
0xb2: {  	s14 =	sor.u32 $0x4010, s5;
	v5 =	vmul.f32 v5, v15;
	v3 =	vadd.s32 v3, v4;
	s6 =	sor.u32 $0x14010, s5;
	v6 =	vadd.f32 $2.086871860e+00, v6;
	v17 =	vld [tilespmem:s13+$0x0]  }
0xb3: {  	v8 =	vnsel vm0, $0x0, v8;
	v15 =	vld [tilespmem:s5+$0x4000];
	v4 =	vmul.f32 v9, v14;
	v9 =	vadd.f32 $2.086871860e+00, v16  }
0xb4: {  	v1 =	vadd.s32 v12, v1;
	v5 =	vadd.f32 $-1.479044560e+00, v5;
	v6 =	vmul.f32 v7, v6;
	v14 =	vld [tilespmem:s5+$0xC000];
	s5 =	sor.u32 $0xC030, s5  }
0xb5: {  	v7 =	vld [tilespmem:s8+$0x0];
	v4 =	vadd.f32 $-1.479044560e+00, v4;
	v9 =	vmul.f32 v10, v9;
	v10 =	vadd.s32 v2, v3  }
0xb6: {  	v5 =	vnsel vm1, $0x0, v5;
	v6 =	vadd.f32 $-1.479044560e+00, v6;
	vm2 =	vgt.s32 v11, $0x0;
	v12 =	vld [tilespmem:s5+$0x0];
	v3 =	vmovc v11  }
0xb7: {  	vm1 =	vgt.s32 v18, $0x0;
	v11 =	vld [tilespmem:s7+$0x0];
	v16 =	vnsel vm3, $0x0, v4;
	v9 =	vadd.f32 $-1.479044560e+00, v9;
	v2 =	vmovc v17  }
0xb8: {  	v4 =	vadd.s32 v10, v18;
	v6 =	vnsel vm4, $0x0, v6;
	v17 =	vsub.f32 $1.000000000e+00, v15;
	v10 =	vld [tilespmem:s14+$0x0]  }
0xb9: {  	vm3 =	vgt.s32 v14, $0x0;
	v14 =	vld [tilespmem:s11+$0x0];
	v9 =	vnsel vm0, $0x0, v9;
	vm0 =	vgt.s32 v2, $0x0  }
0xba: {  	v6 =	vadd.f32 v6, v5;
	v15 =	vsel vm3, v15, v17;
	v17 =	vld [tilespmem:s10+$0x0];
	v9 =	vadd.f32 v9, v16  }
0xbb: {  	v1 =	vadd.s32 v13, v1;
	vm3 =	vgt.s32 v7, $0x0;
	v5 =	vand.u32 $0x7FFFFF, v15  }
0xbc: {  	v5 =	vor.u32 $0x3F800000, v5;
	v7 =	vsub.f32 $1.000000000e+00, v11;
	v13 =	vadd.f32 v9, v6  }
0xbd: {  	v1 =	vadd.s32 v8, v1;
	vm4 =	vgt.s32 v12, $0x0;
	v6 =	vmul.f32 $1.066840440e-01, v5  }
0xbe: {  	v8 =	vshrl.u32 v15, $0x17;
	v9 =	vsub.f32 $1.000000000e+00, v10;
	v15 =	vsub.f32 $1.000000000e+00, v14  }
0xbf: {  	v18 =	vadd.f32 $-7.135859730e-01, v6;
	vm5 =	vgt.s32 v17, $0x0;
	v17 =	vsel vm3, v11, v7  }
.Ltmp2:
0xc0: {  	v6 =	vnsel vm1, $0x0, v8;
	v12 =	vsel vm5, v10, v9;
	v7 =	vand.u32 $0x7FFFFF, v17;
	(pc) =	sbr.rel @p0 .LBB2_8-.Ltmp2, $4  }
0xc1: {  	v19 =	vsel vm4, v14, v15;
	v8 =	vand.u32 $0x7FFFFF, v12;
	v9 =	vor.u32 $0x3F800000, v7  }
0xc2: {  	v0 =	vadd.f32 v13, v0;
	v11 =	vld [tilespmem:s6+$0x0];
	v7 =	vor.u32 $0x3F800000, v8;
	v8 =	vand.u32 $0x7FFFFF, v19  }
0xc3: {  	v16 =	vmul.f32 $1.066840440e-01, v9;
	v14 =	vmul.f32 $1.066840440e-01, v7;
	v10 =	vor.u32 $0x3F800000, v8  }
0xc4: {  	v13 =	vshrl.u32 v17, $0x17;
	v15 =	vmul.f32 v5, v18;
	s6 =	smov.u32 s31;
	v8 =	vshrl.u32 v19, $0x17  }
0xc5: {  	v17 =	vmul.f32 $1.066840440e-01, v10  }
0xc6: {  	v16 =	vadd.f32 $-7.135859730e-01, v16  }
0xc7: {  	v14 =	vadd.f32 $-7.135859730e-01, v14;
	v17 =	vadd.f32 $-7.135859730e-01, v17  }
0xc8: {  	v16 =	vmul.f32 v9, v16  }
0xc9: {  	v14 =	vmul.f32 v7, v14;
	v17 =	vmul.f32 v10, v17  }
0xca: {  	v15 =	vadd.f32 $2.086871860e+00, v15;
	v16 =	vadd.f32 $2.086871860e+00, v16  }
0xcb: {  	v14 =	vadd.f32 $2.086871860e+00, v14;
	v17 =	vadd.f32 $2.086871860e+00, v17  }
0xcc: {  	v5 =	vmul.f32 v5, v15;
	v61 =	vmul.f32 v9, v16  }
0xcd: {  	v7 =	vmul.f32 v7, v14;
	v62 =	vmul.f32 v10, v17  }
0xce: {  	v5 =	vadd.f32 $-1.479044560e+00, v5;
	v9 =	vadd.f32 $-1.479044560e+00, v61  }
0xcf: {  	v7 =	vadd.f32 $-1.479044560e+00, v7;
	v10 =	vadd.f32 $-1.479044560e+00, v62  }
0xd0: {  	vm3 =	vmmov vm2;
	s29 =	sadd.s32 $0x1, s29;
	vm15 =	vgt.s32 v11, $0x0;
	v5 =	vnsel vm1, $0x0, v5  }
0xd1: {  	p0 =	sne.s32 s29, $0x10;
	v9 =	vnsel vm3, $0x0, v9;
	v7 =	vnsel vm15, $0x0, v7;
	v10 =	vnsel vm0, $0x0, v10  }
.Ltmp3:
0xd2: {  	v12 =	vshrl.u32 v12, $0x17;
	v5 =	vadd.f32 v7, v5;
	v7 =	vadd.f32 v10, v9;
	(pc) =	sbr.rel @p0 .LBB2_7-.Ltmp3, $4  }
0xd3: {  	v63 =	vnsel vm2, $0x0, v13;
	v1 =	vadd.s32 v1, v6;
	v6 =	vnsel vm15, $0x0, v12  }
0xd4: {  	v4 =	vadd.s32 v11, v4;
	v1 =	vadd.s32 v6, v1;
	v5 =	vadd.f32 v7, v5  }
0xd5: {  	v3 =	vadd.s32 v3, v4;
	v6 =	vnsel vm0, $0x0, v8;
	v1 =	vadd.s32 v63, v1  }
0xd6: {  	v4 =	vadd.s32 v2, v3;
	v1 =	vadd.s32 v6, v1;
	v0 =	vadd.f32 v5, v0  }
0xd7: {  	s28 =	sadd.s32 $0x1, s28  }
0xd8: {  	p0 =	sne.s32 s28, $0x4  }
.Ltmp4:
0xd9: {  	_ = 	snop;
	(pc) =	sbr.rel @p0 .LBB2_2-.Ltmp4, $1  }
0xda: {  	_ =	sdelay $0x3  }
0xdb: {  	v2 =	vcvt.s32.f32 v4;
	_ =	sdelay $0x1  }
0xdc: {  	v1 =	vcvt.s32.f32 v1;
	v3 =	vmul.f32 $-1.270000000e+02, v2;
	_ =	sdelay $0x1  }
0xdd: {  	v1 =	vadd.f32 v3, v1;
	_ =	sdelay $0x1  }
0xde: {  	v1 =	vmul.f32 $6.931471820e-01, v1;
	_ =	sdelay $0x1  }
0xdf: {  	v0 =	vadd.f32 v1, v0;
	_ =	sdelay $0x1  }
0xe0: {  	v0 =	vsub.f32 $0.0e+00, v0  }
0xe1: {  	s5 =	simm.s32 $0x0;
	[tilespmem:$0x18080] =	vst v2  }
0xe2: {  	s0 =	rddreg [dreg:$0x8];
	s2 =	simm.s32 $0x18000;
	s30 =	simm.s32 $0x7;
	[tilespmem:$0x18000] =	vst v0  }
0xe3: {  	[hbm4b:s0+s5] =	stream.linear.scatter [tilespmem:s2], [sflag:$0x7], $0x100, $0x38;
	[tilespmem:$0x18100] =	vst v63  }
0xe4: {  	_ =	swait.ge [sflag:s30], $0x100  }
0xe5: {  	s26 =	sadd.s32 $0x1, s26;
	s31 =	rddreg [dreg:$0x9]  }
0xe6: {  	p0 =	sne.s32 s26, s31  }
.Ltmp5:
0xe7: {  	_ = 	snop;
	(pc) =	sbr.rel @p0 .LBB2_1-.Ltmp5, $3  }
0xe8: {  	_ =	sdelay $0x1  }
0xe9: {  	[sflag:s30] =	ssyncset.done $0x0  }
0xea: {  	[sflag:s30] =	ssyncadd.s32 $0xFFFFFF00  }
0xeb: {  	_ =	sfence.sel $0x180000  }
0xec: {  	[bflag:$0x0] =	sbarrier.arrive $0xFFFF  }
0xed: {  	_ =	strace $0x90000047  }
0xee: {  	s0 =	stileid.u32;
	[bflag:$0x2] =	sbarrier.arrive $0xFFFF  }
0xef: {  	p0 =	sne.s32 s0, $0x0;
	s0 =	rddreg [dreg:$0x4]  }
0xf0: {  	s0 =	sadd.s32 @!p0 $0x100000, s0  }
0xf1: {  	[sflag:s0] =	ssyncadd.tile.s32 @!p0 $0x1;
	_ =	shalt  }
.Lfunc_end2:
_tile_overlayer_lowered:
.L_overlay_start_2:
0xf2: {  	(tag) =	ssettag $0x2  }
0xf3: {  	s0 =	rddreg [dreg:$0x0];
	s2 =	stileid.u32  }
0xf4: {  	s1 =	rddreg [dreg:$0x1];
	p0 =	sne.s32 s2, $0x0  }
0xf5: {  	s3 =	rddreg [dreg:$0x2];
	[bflag:$0x3] =	sbarrier.arrive $0xFFFF;
	s2 =	simm.s32 @!p0 $0x1C07  }
0xf6: {  	[timem:s3], [sflag:s2] =	dma.local @!p0 [hbm:s0], s1  }
0xf7: {  	s0 =	simm.s32 @!p0 $0x7  }
0xf8: {  	_ =	swait.ge @!p0 [sflag:s0], s1  }
0xf9: {  	s1 =	ssub.s32 @!p0 $0x0, s1;
	[sflag:s0] =	ssyncset.done @!p0 $0x0  }
0xfa: {  	[sflag:s0] =	ssyncadd.s32 @!p0 s1  }
0xfb: {  	[bflag:$0x3] =	sbarrier.arrive $0xFFFF  }
0xfc: {  	_ =	shalt  }

</sc_bundles>
